<compile_context>
chip_gen: v7x
topology: tpu7x:2x2x1
jax: 0.10.2.dev20260603
libtpu: 0.0.44.dev20260713+nightly
codegen_flags: <defaults>
</compile_context>

<pallas_src>
import functools

import jax
import jax.numpy as jnp
from jax import lax
from jax.experimental import pallas as pl
from jax.experimental.pallas import tpu as pltpu
from jax.experimental.pallas import tpu_sc as plsc

NUM_CORES = 2
NUM_SUBCORES = 16
NUM_WORKERS = NUM_CORES * NUM_SUBCORES
LANES = 16

SEQS_PER_CHUNK = 2


def _make_lookup(B, S, D):
    assert B % NUM_WORKERS == 0
    seqs_per_worker = B // NUM_WORKERS
    assert seqs_per_worker % (2 * SEQS_PER_CHUNK) == 0
    chunks = seqs_per_worker // SEQS_PER_CHUNK
    toks = SEQS_PER_CHUNK * S
    assert D == 2 * LANES

    sub = []
    for q in range(SEQS_PER_CHUNK):
        off = 0
        while off < S:
            sz = min(128, S - off)
            sub.append((q, off, sz))
            off += sz

    mesh = plsc.VectorSubcoreMesh(core_axis_name="c", subcore_axis_name="s")

    @functools.partial(
        pl.kernel,
        mesh=mesh,
        compiler_params=pltpu.CompilerParams(use_tc_tiling_on_sc=False),
        out_type=jax.ShapeDtypeStruct((B, S, D), jnp.float32),
        scratch_types=[
            pltpu.VMEM((SEQS_PER_CHUNK, S), jnp.int32),
            pltpu.VMEM((SEQS_PER_CHUNK, S), jnp.int32),
            pltpu.VMEM((SEQS_PER_CHUNK, S, D), jnp.float32),
            pltpu.VMEM((SEQS_PER_CHUNK, S, D), jnp.float32),
            pltpu.VMEM((S, D), jnp.float32),
            pltpu.SemaphoreType.DMA,
            pltpu.SemaphoreType.DMA,
            pltpu.SemaphoreType.DMA,
            pltpu.SemaphoreType.DMA,
        ],
    )
    def lookup(table_hbm, idx_hbm, pos_hbm, out_hbm,
               idx0_v, idx1_v, rows0_v, rows1_v, pos_v,
               gsem0, gsem1, osem0, osem1):
        wid = lax.axis_index("s") * NUM_CORES + lax.axis_index("c")
        seq_base = wid * seqs_per_worker

        idx_v = (idx0_v, idx1_v)
        rows_v = (rows0_v, rows1_v)
        gsem = (gsem0, gsem1)
        osem = (osem0, osem1)

        pltpu.sync_copy(pos_hbm, pos_v)

        def gather_copies(c, buf):
            b0 = pl.multiple_of(seq_base + c * SEQS_PER_CHUNK, SEQS_PER_CHUNK)
            cps = []
            for (q, r, sz) in sub:
                cps.append(
                    pltpu.make_async_copy(
                        table_hbm.at[idx_v[buf].at[q, pl.ds(r, sz)]],
                        rows_v[buf].at[q, pl.ds(r, sz)],
                        gsem[buf],
                    )
                )
            return b0, cps

        def start_chunk(c, buf):
            b0 = pl.multiple_of(seq_base + c * SEQS_PER_CHUNK, SEQS_PER_CHUNK)
            pltpu.sync_copy(idx_hbm.at[pl.ds(b0, SEQS_PER_CHUNK)], idx_v[buf])
            _, cps = gather_copies(c, buf)
            for cp in cps:
                cp.start()

        def out_copy(c, buf):
            b0 = pl.multiple_of(seq_base + c * SEQS_PER_CHUNK, SEQS_PER_CHUNK)
            return pltpu.make_async_copy(
                rows_v[buf], out_hbm.at[pl.ds(b0, SEQS_PER_CHUNK)], osem[buf]
            )

        def add_pos(buf):
            def add_body(s, carry2):
                p0 = pos_v[s, pl.ds(0, LANES)]
                p1 = pos_v[s, pl.ds(LANES, LANES)]
                for q in range(SEQS_PER_CHUNK):
                    rows_v[buf][q, s, pl.ds(0, LANES)] += p0
                    rows_v[buf][q, s, pl.ds(LANES, LANES)] += p1
                return carry2

            lax.fori_loop(0, S, add_body, 0)

        start_chunk(0, 0)

        def step(i, carry):
            for buf in (0, 1):
                c = i * 2 + buf
                _, cps = gather_copies(c, buf)
                for cp in cps:
                    cp.wait()
                @pl.when(c >= 1)
                def _():
                    out_copy(c - 1, 1 - buf).wait()

                @pl.when(c + 1 < chunks)
                def _():
                    start_chunk(c + 1, 1 - buf)

                add_pos(buf)
                out_copy(c, buf).start()
            return carry

        lax.fori_loop(0, chunks // 2, step, 0)
        out_copy(chunks - 1, 1).wait()

    return lookup


def kernel(indices, token_table, pos_table):
    B, S = indices.shape
    V, D = token_table.shape
    pos_rows = lax.slice(pos_table, (0, 0), (S, D))
    lookup = _make_lookup(B, S, D)
    return lookup(token_table, indices.astype(jnp.int32), pos_rows)

# --- scband reference (transcript-rebuilt; emitter-appended) ---
"""Pipeline reference for scband-embeddings-32658931319498 (READ-ONLY COPY).

The authoritative reference and input builder live on the scoring server;
editing this copy changes nothing except your own understanding.
"""

import jax, jax.numpy as jnp
import numpy as np

VOCAB = 1000000
DIM = 32
PAD_IDX = 0
BATCH = 4096
SEQ = 200


def setup_inputs(seed: int = 0) -> dict:
    key = jax.random.key(seed)
    k_idx, k_tok, k_pos = jax.random.split(key, 3)
    indices = jax.random.randint(k_idx, (BATCH, SEQ), 0, VOCAB, dtype=jnp.int64) if jax.config.jax_enable_x64 else jax.random.randint(k_idx, (BATCH, SEQ), 0, VOCAB, dtype=jnp.int32)
    token_table = jax.random.normal(k_tok, (VOCAB, DIM), dtype=jnp.float32)
    pos_table = jax.random.normal(k_pos, (VOCAB, DIM), dtype=jnp.float32)
    # nn.Embedding padding_idx zeroes the padding row
    token_table = token_table.at[PAD_IDX].set(0.0)
    pos_table = pos_table.at[PAD_IDX].set(0.0)
    return {"indices": indices, "token_table": token_table, "pos_table": pos_table}


def reference(indices, token_table, pos_table):
    # tokens = token_embeddings(indices)
    tokens = jnp.take(token_table, indices, axis=0)            # [B, S, D]
    # positions = positional_embeddings(arange(seq_len))
    seq_len = indices.shape[1]
    pos_ids = jnp.arange(seq_len)
    positions = jnp.take(pos_table, pos_ids, axis=0)           # [S, D]
    return tokens + positions[None, :, :]

if __name__ == "__main__":
    import jax
    _d = setup_inputs()
    print(jax.jit(kernel)(*tuple(_d.values())))

</pallas_src>

<mosaic_0001>
#map = affine_map<(d0, d1) -> (0, 0)>
#map1 = affine_map<(d0, d1) -> (0, 0, 0)>
module attributes {stable_mosaic.version = 14 : i64} {
  func.func @lookup(%arg0: i32, %arg1: i32, %arg2: memref<1000000x32xf32, #tpu.memory_space<hbm>>, %arg3: memref<4096x200xi32, #tpu.memory_space<hbm>>, %arg4: memref<200x32xf32, #tpu.memory_space<hbm>>, %arg5: memref<4096x200x32xf32, #tpu.memory_space<hbm>>, %arg6: memref<2x200xi32, #tpu.memory_space<vmem>>, %arg7: memref<2x200xi32, #tpu.memory_space<vmem>>, %arg8: memref<2x200x32xf32, #tpu.memory_space<vmem>>, %arg9: memref<2x200x32xf32, #tpu.memory_space<vmem>>, %arg10: memref<200x32xf32, #tpu.memory_space<vmem>>, %arg11: memref<!tpu.dma_semaphore, #tpu.memory_space<semaphore_mem>>, %arg12: memref<!tpu.dma_semaphore, #tpu.memory_space<semaphore_mem>>, %arg13: memref<!tpu.dma_semaphore, #tpu.memory_space<semaphore_mem>>, %arg14: memref<!tpu.dma_semaphore, #tpu.memory_space<semaphore_mem>>) attributes {dimension_semantics = [#tpu.dimension_semantics<core_parallel>, #tpu.dimension_semantics<subcore_parallel>], iteration_bounds = array<i64: 2, 16>, scalar_prefetch = 0 : i64, scratch_operands = 9 : i64, tpu.core_type = #tpu.core_type<sc_vector_subcore>, window_params = [{transform_indices = #map}, {transform_indices = #map}, {transform_indices = #map}, {transform_indices = #map1}]} {
    %mul3A = arith.constant 2 : i32
    %mul3A_0 = arith.muli %arg1, %mul3A : i32
    %add3A = arith.addi %mul3A_0, %arg0 : i32
    %mul3A_1 = arith.constant 128 : i32
    %mul3A_2 = arith.muli %add3A, %mul3A_1 : i32
    "tpu.region"() ({
      %run_scoped3A = tpu.sem_alloc : memref<!tpu.dma_semaphore, #tpu.memory_space<semaphore_mem>>
      tpu.enqueue_dma source(%arg4 : memref<200x32xf32, #tpu.memory_space<hbm>>) target(%arg10 : memref<200x32xf32, #tpu.memory_space<vmem>>) target_semaphore(%run_scoped3A : memref<!tpu.dma_semaphore, #tpu.memory_space<semaphore_mem>>)
      tpu.wait_dma2 semaphore(%run_scoped3A : memref<!tpu.dma_semaphore, #tpu.memory_space<semaphore_mem>>) src(%arg4 : memref<200x32xf32, #tpu.memory_space<hbm>>) dst(%arg10 : memref<200x32xf32, #tpu.memory_space<vmem>>)
      tpu.yield
    }) : () -> ()
    %add3A_3 = arith.constant 0 : i32
    %add3A_4 = arith.addi %mul3A_2, %add3A_3 : i32
    %multiple_of3A = tpu.assume_multiple %add3A_4, 2 : i32
    "tpu.region"() ({
      %run_scoped3A = tpu.sem_alloc : memref<!tpu.dma_semaphore, #tpu.memory_space<semaphore_mem>>
      %dma_start3A_68 = arith.constant 0 : i32
      %dma_start3A_69 = tpu.memref_slice %arg3[%multiple_of3A, %dma_start3A_68] : memref<4096x200xi32, #tpu.memory_space<hbm>> -> memref<2x200xi32, #tpu.memory_space<hbm>>
      %dma_start3A_70 = arith.constant 0 : i32
      %dma_start3A_71 = tpu.memref_slice %arg3[%multiple_of3A, %dma_start3A_70] : memref<4096x200xi32, #tpu.memory_space<hbm>> -> memref<2x200xi32, #tpu.memory_space<hbm>>
      tpu.enqueue_dma source(%dma_start3A_71 : memref<2x200xi32, #tpu.memory_space<hbm>>) target(%arg6 : memref<2x200xi32, #tpu.memory_space<vmem>>) target_semaphore(%run_scoped3A : memref<!tpu.dma_semaphore, #tpu.memory_space<semaphore_mem>>)
      %dma_wait3A_72 = arith.constant 0 : i32
      %dma_wait3A_73 = tpu.memref_slice %arg3[%multiple_of3A, %dma_wait3A_72] : memref<4096x200xi32, #tpu.memory_space<hbm>> -> memref<2x200xi32, #tpu.memory_space<hbm>>
      %dma_wait3A_74 = arith.constant 0 : i32
      %dma_wait3A_75 = tpu.memref_slice %arg3[%multiple_of3A, %dma_wait3A_74] : memref<4096x200xi32, #tpu.memory_space<hbm>> -> memref<2x200xi32, #tpu.memory_space<hbm>>
      tpu.wait_dma2 semaphore(%run_scoped3A : memref<!tpu.dma_semaphore, #tpu.memory_space<semaphore_mem>>) src(%dma_wait3A_75 : memref<2x200xi32, #tpu.memory_space<hbm>>) dst(%arg6 : memref<2x200xi32, #tpu.memory_space<vmem>>)
      tpu.yield
    }) : () -> ()
    %add3A_5 = arith.constant 0 : i32
    %add3A_6 = arith.addi %mul3A_2, %add3A_5 : i32
    %multiple_of3A_7 = tpu.assume_multiple %add3A_6, 2 : i32
    %dma_start3A = arith.constant 0 : i32
    %dma_start3A_8 = arith.constant 0 : i32
    %dma_start3A_9 = arith.constant 0 : i32
    %dma_start3A_10 = arith.constant 0 : i32
    %dma_start3A_11 = tpu.memref_slice %arg8[%dma_start3A_8, %dma_start3A_9, %dma_start3A_10] : memref<2x200x32xf32, #tpu.memory_space<vmem>> -> memref<1x128x32xf32, #tpu.memory_space<vmem>>
    %dma_start3A_12 = tpu.memref_squeeze %dma_start3A_11 : memref<1x128x32xf32, #tpu.memory_space<vmem>> -> memref<128x32xf32, #tpu.memory_space<vmem>>
    %dma_start3A_13 = arith.constant 0 : i32
    %dma_start3A_14 = tpu.memref_slice %arg6[%dma_start3A, %dma_start3A_13] : memref<2x200xi32, #tpu.memory_space<vmem>> -> memref<1x128xi32, #tpu.memory_space<vmem>>
    %dma_start3A_15 = tpu.memref_squeeze %dma_start3A_14 : memref<1x128xi32, #tpu.memory_space<vmem>> -> memref<128xi32, #tpu.memory_space<vmem>>
    %dma_start3A_16 = arith.constant 0 : i32
    %dma_start3A_17 = arith.constant 0 : i32
    %dma_start3A_18 = tpu.memref_slice %arg2[%dma_start3A_16, %dma_start3A_17] : memref<1000000x32xf32, #tpu.memory_space<hbm>> -> memref<1000000x32xf32, #tpu.memory_space<hbm>>
    tpu.enqueue_indirect_dma source(%dma_start3A_18 : memref<1000000x32xf32, #tpu.memory_space<hbm>>) target(%dma_start3A_12 : memref<128x32xf32, #tpu.memory_space<vmem>>) offsets(%dma_start3A_15 : memref<128xi32, #tpu.memory_space<vmem>>) semaphore(%arg11 : memref<!tpu.dma_semaphore, #tpu.memory_space<semaphore_mem>>)
    %dma_start3A_19 = arith.constant 0 : i32
    %dma_start3A_20 = arith.constant 0 : i32
    %dma_start3A_21 = arith.constant 128 : i32
    %dma_start3A_22 = arith.constant 0 : i32
    %dma_start3A_23 = tpu.memref_slice %arg8[%dma_start3A_20, %dma_start3A_21, %dma_start3A_22] : memref<2x200x32xf32, #tpu.memory_space<vmem>> -> memref<1x72x32xf32, #tpu.memory_space<vmem>>
    %dma_start3A_24 = tpu.memref_squeeze %dma_start3A_23 : memref<1x72x32xf32, #tpu.memory_space<vmem>> -> memref<72x32xf32, #tpu.memory_space<vmem>>
    %dma_start3A_25 = arith.constant 128 : i32
    %dma_start3A_26 = tpu.memref_slice %arg6[%dma_start3A_19, %dma_start3A_25] : memref<2x200xi32, #tpu.memory_space<vmem>> -> memref<1x72xi32, #tpu.memory_space<vmem>>
    %dma_start3A_27 = tpu.memref_squeeze %dma_start3A_26 : memref<1x72xi32, #tpu.memory_space<vmem>> -> memref<72xi32, #tpu.memory_space<vmem>>
    %dma_start3A_28 = arith.constant 0 : i32
    %dma_start3A_29 = arith.constant 0 : i32
    %dma_start3A_30 = tpu.memref_slice %arg2[%dma_start3A_28, %dma_start3A_29] : memref<1000000x32xf32, #tpu.memory_space<hbm>> -> memref<1000000x32xf32, #tpu.memory_space<hbm>>
    tpu.enqueue_indirect_dma source(%dma_start3A_30 : memref<1000000x32xf32, #tpu.memory_space<hbm>>) target(%dma_start3A_24 : memref<72x32xf32, #tpu.memory_space<vmem>>) offsets(%dma_start3A_27 : memref<72xi32, #tpu.memory_space<vmem>>) semaphore(%arg11 : memref<!tpu.dma_semaphore, #tpu.memory_space<semaphore_mem>>)
    %dma_start3A_31 = arith.constant 1 : i32
    %dma_start3A_32 = arith.constant 1 : i32
    %dma_start3A_33 = arith.constant 0 : i32
    %dma_start3A_34 = arith.constant 0 : i32
    %dma_start3A_35 = tpu.memref_slice %arg8[%dma_start3A_32, %dma_start3A_33, %dma_start3A_34] : memref<2x200x32xf32, #tpu.memory_space<vmem>> -> memref<1x128x32xf32, #tpu.memory_space<vmem>>
    %dma_start3A_36 = tpu.memref_squeeze %dma_start3A_35 : memref<1x128x32xf32, #tpu.memory_space<vmem>> -> memref<128x32xf32, #tpu.memory_space<vmem>>
    %dma_start3A_37 = arith.constant 0 : i32
    %dma_start3A_38 = tpu.memref_slice %arg6[%dma_start3A_31, %dma_start3A_37] : memref<2x200xi32, #tpu.memory_space<vmem>> -> memref<1x128xi32, #tpu.memory_space<vmem>>
    %dma_start3A_39 = tpu.memref_squeeze %dma_start3A_38 : memref<1x128xi32, #tpu.memory_space<vmem>> -> memref<128xi32, #tpu.memory_space<vmem>>
    %dma_start3A_40 = arith.constant 0 : i32
    %dma_start3A_41 = arith.constant 0 : i32
    %dma_start3A_42 = tpu.memref_slice %arg2[%dma_start3A_40, %dma_start3A_41] : memref<1000000x32xf32, #tpu.memory_space<hbm>> -> memref<1000000x32xf32, #tpu.memory_space<hbm>>
    tpu.enqueue_indirect_dma source(%dma_start3A_42 : memref<1000000x32xf32, #tpu.memory_space<hbm>>) target(%dma_start3A_36 : memref<128x32xf32, #tpu.memory_space<vmem>>) offsets(%dma_start3A_39 : memref<128xi32, #tpu.memory_space<vmem>>) semaphore(%arg11 : memref<!tpu.dma_semaphore, #tpu.memory_space<semaphore_mem>>)
    %dma_start3A_43 = arith.constant 1 : i32
    %dma_start3A_44 = arith.constant 1 : i32
    %dma_start3A_45 = arith.constant 128 : i32
    %dma_start3A_46 = arith.constant 0 : i32
    %dma_start3A_47 = tpu.memref_slice %arg8[%dma_start3A_44, %dma_start3A_45, %dma_start3A_46] : memref<2x200x32xf32, #tpu.memory_space<vmem>> -> memref<1x72x32xf32, #tpu.memory_space<vmem>>
    %dma_start3A_48 = tpu.memref_squeeze %dma_start3A_47 : memref<1x72x32xf32, #tpu.memory_space<vmem>> -> memref<72x32xf32, #tpu.memory_space<vmem>>
    %dma_start3A_49 = arith.constant 128 : i32
    %dma_start3A_50 = tpu.memref_slice %arg6[%dma_start3A_43, %dma_start3A_49] : memref<2x200xi32, #tpu.memory_space<vmem>> -> memref<1x72xi32, #tpu.memory_space<vmem>>
    %dma_start3A_51 = tpu.memref_squeeze %dma_start3A_50 : memref<1x72xi32, #tpu.memory_space<vmem>> -> memref<72xi32, #tpu.memory_space<vmem>>
    %dma_start3A_52 = arith.constant 0 : i32
    %dma_start3A_53 = arith.constant 0 : i32
    %dma_start3A_54 = tpu.memref_slice %arg2[%dma_start3A_52, %dma_start3A_53] : memref<1000000x32xf32, #tpu.memory_space<hbm>> -> memref<1000000x32xf32, #tpu.memory_space<hbm>>
    tpu.enqueue_indirect_dma source(%dma_start3A_54 : memref<1000000x32xf32, #tpu.memory_space<hbm>>) target(%dma_start3A_48 : memref<72x32xf32, #tpu.memory_space<vmem>>) offsets(%dma_start3A_51 : memref<72xi32, #tpu.memory_space<vmem>>) semaphore(%arg11 : memref<!tpu.dma_semaphore, #tpu.memory_space<semaphore_mem>>)
    %scan3A = arith.constant 0 : i32
    %scan3A_55 = arith.constant 0 : i32
    %scan3A_56 = arith.constant 32 : i32
    %scan3A_57 = arith.addi %scan3A_55, %scan3A_56 : i32
    %scan3A_58 = arith.constant 1 : i32
    scf.for %scan3A_68 = %scan3A_55 to %scan3A_57 step %scan3A_58  : i32 {
      %mul3A_69 = arith.constant 2 : i32
      %mul3A_70 = arith.muli %scan3A_68, %mul3A_69 : i32
      %add3A_71 = arith.constant 0 : i32
      %add3A_72 = arith.addi %mul3A_70, %add3A_71 : i32
      %mul3A_73 = arith.constant 2 : i32
      %mul3A_74 = arith.muli %add3A_72, %mul3A_73 : i32
      %add3A_75 = arith.addi %mul3A_2, %mul3A_74 : i32
      %multiple_of3A_76 = tpu.assume_multiple %add3A_75, 2 : i32
      %dma_wait3A_77 = arith.constant 0 : i32
      %dma_wait3A_78 = arith.constant 0 : i32
      %dma_wait3A_79 = arith.constant 0 : i32
      %dma_wait3A_80 = arith.constant 0 : i32
      %dma_wait3A_81 = tpu.memref_slice %arg8[%dma_wait3A_78, %dma_wait3A_79, %dma_wait3A_80] : memref<2x200x32xf32, #tpu.memory_space<vmem>> -> memref<1x128x32xf32, #tpu.memory_space<vmem>>
      %dma_wait3A_82 = tpu.memref_squeeze %dma_wait3A_81 : memref<1x128x32xf32, #tpu.memory_space<vmem>> -> memref<128x32xf32, #tpu.memory_space<vmem>>
      %dma_wait3A_83 = arith.constant 0 : i32
      %dma_wait3A_84 = tpu.memref_slice %arg6[%dma_wait3A_77, %dma_wait3A_83] : memref<2x200xi32, #tpu.memory_space<vmem>> -> memref<1x128xi32, #tpu.memory_space<vmem>>
      %dma_wait3A_85 = tpu.memref_squeeze %dma_wait3A_84 : memref<1x128xi32, #tpu.memory_space<vmem>> -> memref<128xi32, #tpu.memory_space<vmem>>
      %dma_wait3A_86 = arith.constant 0 : i32
      %dma_wait3A_87 = arith.constant 0 : i32
      %dma_wait3A_88 = tpu.memref_slice %arg2[%dma_wait3A_86, %dma_wait3A_87] : memref<1000000x32xf32, #tpu.memory_space<hbm>> -> memref<1000000x32xf32, #tpu.memory_space<hbm>>
      tpu.wait_indirect_dma semaphore(%arg11 : memref<!tpu.dma_semaphore, #tpu.memory_space<semaphore_mem>>) src(%dma_wait3A_88 : memref<1000000x32xf32, #tpu.memory_space<hbm>>) dst(%dma_wait3A_82 : memref<128x32xf32, #tpu.memory_space<vmem>>)
      %dma_wait3A_89 = arith.constant 0 : i32
      %dma_wait3A_90 = arith.constant 0 : i32
      %dma_wait3A_91 = arith.constant 128 : i32
      %dma_wait3A_92 = arith.constant 0 : i32
      %dma_wait3A_93 = tpu.memref_slice %arg8[%dma_wait3A_90, %dma_wait3A_91, %dma_wait3A_92] : memref<2x200x32xf32, #tpu.memory_space<vmem>> -> memref<1x72x32xf32, #tpu.memory_space<vmem>>
      %dma_wait3A_94 = tpu.memref_squeeze %dma_wait3A_93 : memref<1x72x32xf32, #tpu.memory_space<vmem>> -> memref<72x32xf32, #tpu.memory_space<vmem>>
      %dma_wait3A_95 = arith.constant 128 : i32
      %dma_wait3A_96 = tpu.memref_slice %arg6[%dma_wait3A_89, %dma_wait3A_95] : memref<2x200xi32, #tpu.memory_space<vmem>> -> memref<1x72xi32, #tpu.memory_space<vmem>>
      %dma_wait3A_97 = tpu.memref_squeeze %dma_wait3A_96 : memref<1x72xi32, #tpu.memory_space<vmem>> -> memref<72xi32, #tpu.memory_space<vmem>>
      %dma_wait3A_98 = arith.constant 0 : i32
      %dma_wait3A_99 = arith.constant 0 : i32
      %dma_wait3A_100 = tpu.memref_slice %arg2[%dma_wait3A_98, %dma_wait3A_99] : memref<1000000x32xf32, #tpu.memory_space<hbm>> -> memref<1000000x32xf32, #tpu.memory_space<hbm>>
      tpu.wait_indirect_dma semaphore(%arg11 : memref<!tpu.dma_semaphore, #tpu.memory_space<semaphore_mem>>) src(%dma_wait3A_100 : memref<1000000x32xf32, #tpu.memory_space<hbm>>) dst(%dma_wait3A_94 : memref<72x32xf32, #tpu.memory_space<vmem>>)
      %dma_wait3A_101 = arith.constant 1 : i32
      %dma_wait3A_102 = arith.constant 1 : i32
      %dma_wait3A_103 = arith.constant 0 : i32
      %dma_wait3A_104 = arith.constant 0 : i32
      %dma_wait3A_105 = tpu.memref_slice %arg8[%dma_wait3A_102, %dma_wait3A_103, %dma_wait3A_104] : memref<2x200x32xf32, #tpu.memory_space<vmem>> -> memref<1x128x32xf32, #tpu.memory_space<vmem>>
      %dma_wait3A_106 = tpu.memref_squeeze %dma_wait3A_105 : memref<1x128x32xf32, #tpu.memory_space<vmem>> -> memref<128x32xf32, #tpu.memory_space<vmem>>
      %dma_wait3A_107 = arith.constant 0 : i32
      %dma_wait3A_108 = tpu.memref_slice %arg6[%dma_wait3A_101, %dma_wait3A_107] : memref<2x200xi32, #tpu.memory_space<vmem>> -> memref<1x128xi32, #tpu.memory_space<vmem>>
      %dma_wait3A_109 = tpu.memref_squeeze %dma_wait3A_108 : memref<1x128xi32, #tpu.memory_space<vmem>> -> memref<128xi32, #tpu.memory_space<vmem>>
      %dma_wait3A_110 = arith.constant 0 : i32
      %dma_wait3A_111 = arith.constant 0 : i32
      %dma_wait3A_112 = tpu.memref_slice %arg2[%dma_wait3A_110, %dma_wait3A_111] : memref<1000000x32xf32, #tpu.memory_space<hbm>> -> memref<1000000x32xf32, #tpu.memory_space<hbm>>
      tpu.wait_indirect_dma semaphore(%arg11 : memref<!tpu.dma_semaphore, #tpu.memory_space<semaphore_mem>>) src(%dma_wait3A_112 : memref<1000000x32xf32, #tpu.memory_space<hbm>>) dst(%dma_wait3A_106 : memref<128x32xf32, #tpu.memory_space<vmem>>)
      %dma_wait3A_113 = arith.constant 1 : i32
      %dma_wait3A_114 = arith.constant 1 : i32
      %dma_wait3A_115 = arith.constant 128 : i32
      %dma_wait3A_116 = arith.constant 0 : i32
      %dma_wait3A_117 = tpu.memref_slice %arg8[%dma_wait3A_114, %dma_wait3A_115, %dma_wait3A_116] : memref<2x200x32xf32, #tpu.memory_space<vmem>> -> memref<1x72x32xf32, #tpu.memory_space<vmem>>
      %dma_wait3A_118 = tpu.memref_squeeze %dma_wait3A_117 : memref<1x72x32xf32, #tpu.memory_space<vmem>> -> memref<72x32xf32, #tpu.memory_space<vmem>>
      %dma_wait3A_119 = arith.constant 128 : i32
      %dma_wait3A_120 = tpu.memref_slice %arg6[%dma_wait3A_113, %dma_wait3A_119] : memref<2x200xi32, #tpu.memory_space<vmem>> -> memref<1x72xi32, #tpu.memory_space<vmem>>
      %dma_wait3A_121 = tpu.memref_squeeze %dma_wait3A_120 : memref<1x72xi32, #tpu.memory_space<vmem>> -> memref<72xi32, #tpu.memory_space<vmem>>
      %dma_wait3A_122 = arith.constant 0 : i32
      %dma_wait3A_123 = arith.constant 0 : i32
      %dma_wait3A_124 = tpu.memref_slice %arg2[%dma_wait3A_122, %dma_wait3A_123] : memref<1000000x32xf32, #tpu.memory_space<hbm>> -> memref<1000000x32xf32, #tpu.memory_space<hbm>>
      tpu.wait_indirect_dma semaphore(%arg11 : memref<!tpu.dma_semaphore, #tpu.memory_space<semaphore_mem>>) src(%dma_wait3A_124 : memref<1000000x32xf32, #tpu.memory_space<hbm>>) dst(%dma_wait3A_118 : memref<72x32xf32, #tpu.memory_space<vmem>>)
      %ge3A = arith.constant 1 : i32
      %ge3A_125 = arith.cmpi sge, %add3A_72, %ge3A : i32
      %convert_element_type3A = arith.extui %ge3A_125 : i1 to i32
      %cond3A = arith.constant 0 : i32
      %cond3A_126 = arith.cmpi ne, %convert_element_type3A, %cond3A : i32
      scf.if %cond3A_126 {
        %sub3A = arith.constant 1 : i32
        %sub3A_233 = arith.subi %add3A_72, %sub3A : i32
        %mul3A_234 = arith.constant 2 : i32
        %mul3A_235 = arith.muli %sub3A_233, %mul3A_234 : i32
        %add3A_236 = arith.addi %mul3A_2, %mul3A_235 : i32
        %multiple_of3A_237 = tpu.assume_multiple %add3A_236, 2 : i32
        %dma_wait3A_238 = arith.constant 0 : i32
        %dma_wait3A_239 = arith.constant 0 : i32
        %dma_wait3A_240 = tpu.memref_slice %arg5[%multiple_of3A_237, %dma_wait3A_238, %dma_wait3A_239] : memref<4096x200x32xf32, #tpu.memory_space<hbm>> -> memref<2x200x32xf32, #tpu.memory_space<hbm>>
        %dma_wait3A_241 = arith.constant 0 : i32
        %dma_wait3A_242 = arith.constant 0 : i32
        %dma_wait3A_243 = tpu.memref_slice %arg5[%multiple_of3A_237, %dma_wait3A_241, %dma_wait3A_242] : memref<4096x200x32xf32, #tpu.memory_space<hbm>> -> memref<2x200x32xf32, #tpu.memory_space<hbm>>
        tpu.wait_dma2 semaphore(%arg14 : memref<!tpu.dma_semaphore, #tpu.memory_space<semaphore_mem>>) src(%arg9 : memref<2x200x32xf32, #tpu.memory_space<vmem>>) dst(%dma_wait3A_243 : memref<2x200x32xf32, #tpu.memory_space<hbm>>)
      } else {
      }
      %add3A_127 = arith.constant 1 : i32
      %add3A_128 = arith.addi %add3A_72, %add3A_127 : i32
      %lt3A = arith.constant 64 : i32
      %lt3A_129 = arith.cmpi slt, %add3A_128, %lt3A : i32
      %convert_element_type3A_130 = arith.extui %lt3A_129 : i1 to i32
      %cond3A_131 = arith.constant 0 : i32
      %cond3A_132 = arith.cmpi ne, %convert_element_type3A_130, %cond3A_131 : i32
      scf.if %cond3A_132 {
        %add3A_233 = arith.constant 1 : i32
        %add3A_234 = arith.addi %add3A_72, %add3A_233 : i32
        %mul3A_235 = arith.constant 2 : i32
        %mul3A_236 = arith.muli %add3A_234, %mul3A_235 : i32
        %add3A_237 = arith.addi %mul3A_2, %mul3A_236 : i32
        %multiple_of3A_238 = tpu.assume_multiple %add3A_237, 2 : i32
        "tpu.region"() ({
          %run_scoped3A = tpu.sem_alloc : memref<!tpu.dma_semaphore, #tpu.memory_space<semaphore_mem>>
          %dma_start3A_291 = arith.constant 0 : i32
          %dma_start3A_292 = tpu.memref_slice %arg3[%multiple_of3A_238, %dma_start3A_291] : memref<4096x200xi32, #tpu.memory_space<hbm>> -> memref<2x200xi32, #tpu.memory_space<hbm>>
          %dma_start3A_293 = arith.constant 0 : i32
          %dma_start3A_294 = tpu.memref_slice %arg3[%multiple_of3A_238, %dma_start3A_293] : memref<4096x200xi32, #tpu.memory_space<hbm>> -> memref<2x200xi32, #tpu.memory_space<hbm>>
          tpu.enqueue_dma source(%dma_start3A_294 : memref<2x200xi32, #tpu.memory_space<hbm>>) target(%arg7 : memref<2x200xi32, #tpu.memory_space<vmem>>) target_semaphore(%run_scoped3A : memref<!tpu.dma_semaphore, #tpu.memory_space<semaphore_mem>>)
          %dma_wait3A_295 = arith.constant 0 : i32
          %dma_wait3A_296 = tpu.memref_slice %arg3[%multiple_of3A_238, %dma_wait3A_295] : memref<4096x200xi32, #tpu.memory_space<hbm>> -> memref<2x200xi32, #tpu.memory_space<hbm>>
          %dma_wait3A_297 = arith.constant 0 : i32
          %dma_wait3A_298 = tpu.memref_slice %arg3[%multiple_of3A_238, %dma_wait3A_297] : memref<4096x200xi32, #tpu.memory_space<hbm>> -> memref<2x200xi32, #tpu.memory_space<hbm>>
          tpu.wait_dma2 semaphore(%run_scoped3A : memref<!tpu.dma_semaphore, #tpu.memory_space<semaphore_mem>>) src(%dma_wait3A_298 : memref<2x200xi32, #tpu.memory_space<hbm>>) dst(%arg7 : memref<2x200xi32, #tpu.memory_space<vmem>>)
          tpu.yield
        }) : () -> ()
        %mul3A_239 = arith.constant 2 : i32
        %mul3A_240 = arith.muli %add3A_234, %mul3A_239 : i32
        %add3A_241 = arith.addi %mul3A_2, %mul3A_240 : i32
        %multiple_of3A_242 = tpu.assume_multiple %add3A_241, 2 : i32
        %dma_start3A_243 = arith.constant 0 : i32
        %dma_start3A_244 = arith.constant 0 : i32
        %dma_start3A_245 = arith.constant 0 : i32
        %dma_start3A_246 = arith.constant 0 : i32
        %dma_start3A_247 = tpu.memref_slice %arg9[%dma_start3A_244, %dma_start3A_245, %dma_start3A_246] : memref<2x200x32xf32, #tpu.memory_space<vmem>> -> memref<1x128x32xf32, #tpu.memory_space<vmem>>
        %dma_start3A_248 = tpu.memref_squeeze %dma_start3A_247 : memref<1x128x32xf32, #tpu.memory_space<vmem>> -> memref<128x32xf32, #tpu.memory_space<vmem>>
        %dma_start3A_249 = arith.constant 0 : i32
        %dma_start3A_250 = tpu.memref_slice %arg7[%dma_start3A_243, %dma_start3A_249] : memref<2x200xi32, #tpu.memory_space<vmem>> -> memref<1x128xi32, #tpu.memory_space<vmem>>
        %dma_start3A_251 = tpu.memref_squeeze %dma_start3A_250 : memref<1x128xi32, #tpu.memory_space<vmem>> -> memref<128xi32, #tpu.memory_space<vmem>>
        %dma_start3A_252 = arith.constant 0 : i32
        %dma_start3A_253 = arith.constant 0 : i32
        %dma_start3A_254 = tpu.memref_slice %arg2[%dma_start3A_252, %dma_start3A_253] : memref<1000000x32xf32, #tpu.memory_space<hbm>> -> memref<1000000x32xf32, #tpu.memory_space<hbm>>
        tpu.enqueue_indirect_dma source(%dma_start3A_254 : memref<1000000x32xf32, #tpu.memory_space<hbm>>) target(%dma_start3A_248 : memref<128x32xf32, #tpu.memory_space<vmem>>) offsets(%dma_start3A_251 : memref<128xi32, #tpu.memory_space<vmem>>) semaphore(%arg12 : memref<!tpu.dma_semaphore, #tpu.memory_space<semaphore_mem>>)
        %dma_start3A_255 = arith.constant 0 : i32
        %dma_start3A_256 = arith.constant 0 : i32
        %dma_start3A_257 = arith.constant 128 : i32
        %dma_start3A_258 = arith.constant 0 : i32
        %dma_start3A_259 = tpu.memref_slice %arg9[%dma_start3A_256, %dma_start3A_257, %dma_start3A_258] : memref<2x200x32xf32, #tpu.memory_space<vmem>> -> memref<1x72x32xf32, #tpu.memory_space<vmem>>
        %dma_start3A_260 = tpu.memref_squeeze %dma_start3A_259 : memref<1x72x32xf32, #tpu.memory_space<vmem>> -> memref<72x32xf32, #tpu.memory_space<vmem>>
        %dma_start3A_261 = arith.constant 128 : i32
        %dma_start3A_262 = tpu.memref_slice %arg7[%dma_start3A_255, %dma_start3A_261] : memref<2x200xi32, #tpu.memory_space<vmem>> -> memref<1x72xi32, #tpu.memory_space<vmem>>
        %dma_start3A_263 = tpu.memref_squeeze %dma_start3A_262 : memref<1x72xi32, #tpu.memory_space<vmem>> -> memref<72xi32, #tpu.memory_space<vmem>>
        %dma_start3A_264 = arith.constant 0 : i32
        %dma_start3A_265 = arith.constant 0 : i32
        %dma_start3A_266 = tpu.memref_slice %arg2[%dma_start3A_264, %dma_start3A_265] : memref<1000000x32xf32, #tpu.memory_space<hbm>> -> memref<1000000x32xf32, #tpu.memory_space<hbm>>
        tpu.enqueue_indirect_dma source(%dma_start3A_266 : memref<1000000x32xf32, #tpu.memory_space<hbm>>) target(%dma_start3A_260 : memref<72x32xf32, #tpu.memory_space<vmem>>) offsets(%dma_start3A_263 : memref<72xi32, #tpu.memory_space<vmem>>) semaphore(%arg12 : memref<!tpu.dma_semaphore, #tpu.memory_space<semaphore_mem>>)
        %dma_start3A_267 = arith.constant 1 : i32
        %dma_start3A_268 = arith.constant 1 : i32
        %dma_start3A_269 = arith.constant 0 : i32
        %dma_start3A_270 = arith.constant 0 : i32
        %dma_start3A_271 = tpu.memref_slice %arg9[%dma_start3A_268, %dma_start3A_269, %dma_start3A_270] : memref<2x200x32xf32, #tpu.memory_space<vmem>> -> memref<1x128x32xf32, #tpu.memory_space<vmem>>
        %dma_start3A_272 = tpu.memref_squeeze %dma_start3A_271 : memref<1x128x32xf32, #tpu.memory_space<vmem>> -> memref<128x32xf32, #tpu.memory_space<vmem>>
        %dma_start3A_273 = arith.constant 0 : i32
        %dma_start3A_274 = tpu.memref_slice %arg7[%dma_start3A_267, %dma_start3A_273] : memref<2x200xi32, #tpu.memory_space<vmem>> -> memref<1x128xi32, #tpu.memory_space<vmem>>
        %dma_start3A_275 = tpu.memref_squeeze %dma_start3A_274 : memref<1x128xi32, #tpu.memory_space<vmem>> -> memref<128xi32, #tpu.memory_space<vmem>>
        %dma_start3A_276 = arith.constant 0 : i32
        %dma_start3A_277 = arith.constant 0 : i32
        %dma_start3A_278 = tpu.memref_slice %arg2[%dma_start3A_276, %dma_start3A_277] : memref<1000000x32xf32, #tpu.memory_space<hbm>> -> memref<1000000x32xf32, #tpu.memory_space<hbm>>
        tpu.enqueue_indirect_dma source(%dma_start3A_278 : memref<1000000x32xf32, #tpu.memory_space<hbm>>) target(%dma_start3A_272 : memref<128x32xf32, #tpu.memory_space<vmem>>) offsets(%dma_start3A_275 : memref<128xi32, #tpu.memory_space<vmem>>) semaphore(%arg12 : memref<!tpu.dma_semaphore, #tpu.memory_space<semaphore_mem>>)
        %dma_start3A_279 = arith.constant 1 : i32
        %dma_start3A_280 = arith.constant 1 : i32
        %dma_start3A_281 = arith.constant 128 : i32
        %dma_start3A_282 = arith.constant 0 : i32
        %dma_start3A_283 = tpu.memref_slice %arg9[%dma_start3A_280, %dma_start3A_281, %dma_start3A_282] : memref<2x200x32xf32, #tpu.memory_space<vmem>> -> memref<1x72x32xf32, #tpu.memory_space<vmem>>
        %dma_start3A_284 = tpu.memref_squeeze %dma_start3A_283 : memref<1x72x32xf32, #tpu.memory_space<vmem>> -> memref<72x32xf32, #tpu.memory_space<vmem>>
        %dma_start3A_285 = arith.constant 128 : i32
        %dma_start3A_286 = tpu.memref_slice %arg7[%dma_start3A_279, %dma_start3A_285] : memref<2x200xi32, #tpu.memory_space<vmem>> -> memref<1x72xi32, #tpu.memory_space<vmem>>
        %dma_start3A_287 = tpu.memref_squeeze %dma_start3A_286 : memref<1x72xi32, #tpu.memory_space<vmem>> -> memref<72xi32, #tpu.memory_space<vmem>>
        %dma_start3A_288 = arith.constant 0 : i32
        %dma_start3A_289 = arith.constant 0 : i32
        %dma_start3A_290 = tpu.memref_slice %arg2[%dma_start3A_288, %dma_start3A_289] : memref<1000000x32xf32, #tpu.memory_space<hbm>> -> memref<1000000x32xf32, #tpu.memory_space<hbm>>
        tpu.enqueue_indirect_dma source(%dma_start3A_290 : memref<1000000x32xf32, #tpu.memory_space<hbm>>) target(%dma_start3A_284 : memref<72x32xf32, #tpu.memory_space<vmem>>) offsets(%dma_start3A_287 : memref<72xi32, #tpu.memory_space<vmem>>) semaphore(%arg12 : memref<!tpu.dma_semaphore, #tpu.memory_space<semaphore_mem>>)
      } else {
      }
      %scan3A_133 = arith.constant 0 : i32
      %scan3A_134 = arith.constant 0 : i32
      %scan3A_135 = arith.constant 200 : i32
      %scan3A_136 = arith.addi %scan3A_134, %scan3A_135 : i32
      %scan3A_137 = arith.constant 1 : i32
      scf.for %scan3A_233 = %scan3A_134 to %scan3A_136 step %scan3A_137  : i32 {
        %get3A = arith.index_cast %scan3A_233 : i32 to index
        %get3A_234 = arith.constant 0 : index
        %get3A_235 = tpu.vector_load %arg10[%get3A, %get3A_234] {strides = array<i32>} : memref<200x32xf32, #tpu.memory_space<vmem>>, vector<1x16xf32>,
        %get3A_236 = vector.shape_cast %get3A_235 : vector<1x16xf32> to vector<16xf32>
        %get3A_237 = arith.index_cast %scan3A_233 : i32 to index
        %get3A_238 = arith.constant 16 : index
        %get3A_239 = tpu.vector_load %arg10[%get3A_237, %get3A_238] {strides = array<i32>} : memref<200x32xf32, #tpu.memory_space<vmem>>, vector<1x16xf32>,
        %get3A_240 = vector.shape_cast %get3A_239 : vector<1x16xf32> to vector<16xf32>
        %get3A_241 = arith.constant 0 : i32
        %get3A_242 = arith.index_cast %get3A_241 : i32 to index
        %get3A_243 = arith.index_cast %scan3A_233 : i32 to index
        %get3A_244 = arith.constant 0 : index
        %get3A_245 = tpu.vector_load %arg8[%get3A_242, %get3A_243, %get3A_244] {strides = array<i32>} : memref<2x200x32xf32, #tpu.memory_space<vmem>>, vector<1x1x16xf32>,
        %get3A_246 = vector.shape_cast %get3A_245 : vector<1x1x16xf32> to vector<16xf32>
        %add3A_247 = arith.addf %get3A_246, %get3A_236 : vector<16xf32>
        %swap3A = arith.constant 0 : i32
        %swap3A_248 = arith.index_cast %swap3A : i32 to index
        %swap3A_249 = arith.index_cast %scan3A_233 : i32 to index
        %swap3A_250 = arith.constant 0 : index
        %swap3A_251 = tpu.vector_load %arg8[%swap3A_248, %swap3A_249, %swap3A_250] {strides = array<i32>} : memref<2x200x32xf32, #tpu.memory_space<vmem>>, vector<1x1x16xf32>,
        %swap3A_252 = vector.shape_cast %swap3A_251 : vector<1x1x16xf32> to vector<16xf32>
        %swap3A_253 = vector.shape_cast %add3A_247 : vector<16xf32> to vector<1x1x16xf32>
        tpu.vector_store %arg8[%swap3A_248, %swap3A_249, %swap3A_250], %swap3A_253 {strides = array<i32>} : memref<2x200x32xf32, #tpu.memory_space<vmem>>, vector<1x1x16xf32>,
        %get3A_254 = arith.constant 0 : i32
        %get3A_255 = arith.index_cast %get3A_254 : i32 to index
        %get3A_256 = arith.index_cast %scan3A_233 : i32 to index
        %get3A_257 = arith.constant 16 : index
        %get3A_258 = tpu.vector_load %arg8[%get3A_255, %get3A_256, %get3A_257] {strides = array<i32>} : memref<2x200x32xf32, #tpu.memory_space<vmem>>, vector<1x1x16xf32>,
        %get3A_259 = vector.shape_cast %get3A_258 : vector<1x1x16xf32> to vector<16xf32>
        %add3A_260 = arith.addf %get3A_259, %get3A_240 : vector<16xf32>
        %swap3A_261 = arith.constant 0 : i32
        %swap3A_262 = arith.index_cast %swap3A_261 : i32 to index
        %swap3A_263 = arith.index_cast %scan3A_233 : i32 to index
        %swap3A_264 = arith.constant 16 : index
        %swap3A_265 = tpu.vector_load %arg8[%swap3A_262, %swap3A_263, %swap3A_264] {strides = array<i32>} : memref<2x200x32xf32, #tpu.memory_space<vmem>>, vector<1x1x16xf32>,
        %swap3A_266 = vector.shape_cast %swap3A_265 : vector<1x1x16xf32> to vector<16xf32>
        %swap3A_267 = vector.shape_cast %add3A_260 : vector<16xf32> to vector<1x1x16xf32>
        tpu.vector_store %arg8[%swap3A_262, %swap3A_263, %swap3A_264], %swap3A_267 {strides = array<i32>} : memref<2x200x32xf32, #tpu.memory_space<vmem>>, vector<1x1x16xf32>,
        %get3A_268 = arith.constant 1 : i32
        %get3A_269 = arith.index_cast %get3A_268 : i32 to index
        %get3A_270 = arith.index_cast %scan3A_233 : i32 to index
        %get3A_271 = arith.constant 0 : index
        %get3A_272 = tpu.vector_load %arg8[%get3A_269, %get3A_270, %get3A_271] {strides = array<i32>} : memref<2x200x32xf32, #tpu.memory_space<vmem>>, vector<1x1x16xf32>,
        %get3A_273 = vector.shape_cast %get3A_272 : vector<1x1x16xf32> to vector<16xf32>
        %add3A_274 = arith.addf %get3A_273, %get3A_236 : vector<16xf32>
        %swap3A_275 = arith.constant 1 : i32
        %swap3A_276 = arith.index_cast %swap3A_275 : i32 to index
        %swap3A_277 = arith.index_cast %scan3A_233 : i32 to index
        %swap3A_278 = arith.constant 0 : index
        %swap3A_279 = tpu.vector_load %arg8[%swap3A_276, %swap3A_277, %swap3A_278] {strides = array<i32>} : memref<2x200x32xf32, #tpu.memory_space<vmem>>, vector<1x1x16xf32>,
        %swap3A_280 = vector.shape_cast %swap3A_279 : vector<1x1x16xf32> to vector<16xf32>
        %swap3A_281 = vector.shape_cast %add3A_274 : vector<16xf32> to vector<1x1x16xf32>
        tpu.vector_store %arg8[%swap3A_276, %swap3A_277, %swap3A_278], %swap3A_281 {strides = array<i32>} : memref<2x200x32xf32, #tpu.memory_space<vmem>>, vector<1x1x16xf32>,
        %get3A_282 = arith.constant 1 : i32
        %get3A_283 = arith.index_cast %get3A_282 : i32 to index
        %get3A_284 = arith.index_cast %scan3A_233 : i32 to index
        %get3A_285 = arith.constant 16 : index
        %get3A_286 = tpu.vector_load %arg8[%get3A_283, %get3A_284, %get3A_285] {strides = array<i32>} : memref<2x200x32xf32, #tpu.memory_space<vmem>>, vector<1x1x16xf32>,
        %get3A_287 = vector.shape_cast %get3A_286 : vector<1x1x16xf32> to vector<16xf32>
        %add3A_288 = arith.addf %get3A_287, %get3A_240 : vector<16xf32>
        %swap3A_289 = arith.constant 1 : i32
        %swap3A_290 = arith.index_cast %swap3A_289 : i32 to index
        %swap3A_291 = arith.index_cast %scan3A_233 : i32 to index
        %swap3A_292 = arith.constant 16 : index
        %swap3A_293 = tpu.vector_load %arg8[%swap3A_290, %swap3A_291, %swap3A_292] {strides = array<i32>} : memref<2x200x32xf32, #tpu.memory_space<vmem>>, vector<1x1x16xf32>,
        %swap3A_294 = vector.shape_cast %swap3A_293 : vector<1x1x16xf32> to vector<16xf32>
        %swap3A_295 = vector.shape_cast %add3A_288 : vector<16xf32> to vector<1x1x16xf32>
        tpu.vector_store %arg8[%swap3A_290, %swap3A_291, %swap3A_292], %swap3A_295 {strides = array<i32>} : memref<2x200x32xf32, #tpu.memory_space<vmem>>, vector<1x1x16xf32>,
      }
      %scan3A_138 = arith.constant 200 : i32
      %mul3A_139 = arith.constant 2 : i32
      %mul3A_140 = arith.muli %add3A_72, %mul3A_139 : i32
      %add3A_141 = arith.addi %mul3A_2, %mul3A_140 : i32
      %multiple_of3A_142 = tpu.assume_multiple %add3A_141, 2 : i32
      %dma_start3A_143 = arith.constant 0 : i32
      %dma_start3A_144 = arith.constant 0 : i32
      %dma_start3A_145 = tpu.memref_slice %arg5[%multiple_of3A_142, %dma_start3A_143, %dma_start3A_144] : memref<4096x200x32xf32, #tpu.memory_space<hbm>> -> memref<2x200x32xf32, #tpu.memory_space<hbm>>
      %dma_start3A_146 = arith.constant 0 : i32
      %dma_start3A_147 = arith.constant 0 : i32
      %dma_start3A_148 = tpu.memref_slice %arg5[%multiple_of3A_142, %dma_start3A_146, %dma_start3A_147] : memref<4096x200x32xf32, #tpu.memory_space<hbm>> -> memref<2x200x32xf32, #tpu.memory_space<hbm>>
      tpu.enqueue_dma source(%arg8 : memref<2x200x32xf32, #tpu.memory_space<vmem>>) target(%dma_start3A_148 : memref<2x200x32xf32, #tpu.memory_space<hbm>>) target_semaphore(%arg13 : memref<!tpu.dma_semaphore, #tpu.memory_space<semaphore_mem>>)
      %mul3A_149 = arith.constant 2 : i32
      %mul3A_150 = arith.muli %scan3A_68, %mul3A_149 : i32
      %add3A_151 = arith.constant 1 : i32
      %add3A_152 = arith.addi %mul3A_150, %add3A_151 : i32
      %mul3A_153 = arith.constant 2 : i32
      %mul3A_154 = arith.muli %add3A_152, %mul3A_153 : i32
      %add3A_155 = arith.addi %mul3A_2, %mul3A_154 : i32
      %multiple_of3A_156 = tpu.assume_multiple %add3A_155, 2 : i32
      %dma_wait3A_157 = arith.constant 0 : i32
      %dma_wait3A_158 = arith.constant 0 : i32
      %dma_wait3A_159 = arith.constant 0 : i32
      %dma_wait3A_160 = arith.constant 0 : i32
      %dma_wait3A_161 = tpu.memref_slice %arg9[%dma_wait3A_158, %dma_wait3A_159, %dma_wait3A_160] : memref<2x200x32xf32, #tpu.memory_space<vmem>> -> memref<1x128x32xf32, #tpu.memory_space<vmem>>
      %dma_wait3A_162 = tpu.memref_squeeze %dma_wait3A_161 : memref<1x128x32xf32, #tpu.memory_space<vmem>> -> memref<128x32xf32, #tpu.memory_space<vmem>>
      %dma_wait3A_163 = arith.constant 0 : i32
      %dma_wait3A_164 = tpu.memref_slice %arg7[%dma_wait3A_157, %dma_wait3A_163] : memref<2x200xi32, #tpu.memory_space<vmem>> -> memref<1x128xi32, #tpu.memory_space<vmem>>
      %dma_wait3A_165 = tpu.memref_squeeze %dma_wait3A_164 : memref<1x128xi32, #tpu.memory_space<vmem>> -> memref<128xi32, #tpu.memory_space<vmem>>
      %dma_wait3A_166 = arith.constant 0 : i32
      %dma_wait3A_167 = arith.constant 0 : i32
      %dma_wait3A_168 = tpu.memref_slice %arg2[%dma_wait3A_166, %dma_wait3A_167] : memref<1000000x32xf32, #tpu.memory_space<hbm>> -> memref<1000000x32xf32, #tpu.memory_space<hbm>>
      tpu.wait_indirect_dma semaphore(%arg12 : memref<!tpu.dma_semaphore, #tpu.memory_space<semaphore_mem>>) src(%dma_wait3A_168 : memref<1000000x32xf32, #tpu.memory_space<hbm>>) dst(%dma_wait3A_162 : memref<128x32xf32, #tpu.memory_space<vmem>>)
      %dma_wait3A_169 = arith.constant 0 : i32
      %dma_wait3A_170 = arith.constant 0 : i32
      %dma_wait3A_171 = arith.constant 128 : i32
      %dma_wait3A_172 = arith.constant 0 : i32
      %dma_wait3A_173 = tpu.memref_slice %arg9[%dma_wait3A_170, %dma_wait3A_171, %dma_wait3A_172] : memref<2x200x32xf32, #tpu.memory_space<vmem>> -> memref<1x72x32xf32, #tpu.memory_space<vmem>>
      %dma_wait3A_174 = tpu.memref_squeeze %dma_wait3A_173 : memref<1x72x32xf32, #tpu.memory_space<vmem>> -> memref<72x32xf32, #tpu.memory_space<vmem>>
      %dma_wait3A_175 = arith.constant 128 : i32
      %dma_wait3A_176 = tpu.memref_slice %arg7[%dma_wait3A_169, %dma_wait3A_175] : memref<2x200xi32, #tpu.memory_space<vmem>> -> memref<1x72xi32, #tpu.memory_space<vmem>>
      %dma_wait3A_177 = tpu.memref_squeeze %dma_wait3A_176 : memref<1x72xi32, #tpu.memory_space<vmem>> -> memref<72xi32, #tpu.memory_space<vmem>>
      %dma_wait3A_178 = arith.constant 0 : i32
      %dma_wait3A_179 = arith.constant 0 : i32
      %dma_wait3A_180 = tpu.memref_slice %arg2[%dma_wait3A_178, %dma_wait3A_179] : memref<1000000x32xf32, #tpu.memory_space<hbm>> -> memref<1000000x32xf32, #tpu.memory_space<hbm>>
      tpu.wait_indirect_dma semaphore(%arg12 : memref<!tpu.dma_semaphore, #tpu.memory_space<semaphore_mem>>) src(%dma_wait3A_180 : memref<1000000x32xf32, #tpu.memory_space<hbm>>) dst(%dma_wait3A_174 : memref<72x32xf32, #tpu.memory_space<vmem>>)
      %dma_wait3A_181 = arith.constant 1 : i32
      %dma_wait3A_182 = arith.constant 1 : i32
      %dma_wait3A_183 = arith.constant 0 : i32
      %dma_wait3A_184 = arith.constant 0 : i32
      %dma_wait3A_185 = tpu.memref_slice %arg9[%dma_wait3A_182, %dma_wait3A_183, %dma_wait3A_184] : memref<2x200x32xf32, #tpu.memory_space<vmem>> -> memref<1x128x32xf32, #tpu.memory_space<vmem>>
      %dma_wait3A_186 = tpu.memref_squeeze %dma_wait3A_185 : memref<1x128x32xf32, #tpu.memory_space<vmem>> -> memref<128x32xf32, #tpu.memory_space<vmem>>
      %dma_wait3A_187 = arith.constant 0 : i32
      %dma_wait3A_188 = tpu.memref_slice %arg7[%dma_wait3A_181, %dma_wait3A_187] : memref<2x200xi32, #tpu.memory_space<vmem>> -> memref<1x128xi32, #tpu.memory_space<vmem>>
      %dma_wait3A_189 = tpu.memref_squeeze %dma_wait3A_188 : memref<1x128xi32, #tpu.memory_space<vmem>> -> memref<128xi32, #tpu.memory_space<vmem>>
      %dma_wait3A_190 = arith.constant 0 : i32
      %dma_wait3A_191 = arith.constant 0 : i32
      %dma_wait3A_192 = tpu.memref_slice %arg2[%dma_wait3A_190, %dma_wait3A_191] : memref<1000000x32xf32, #tpu.memory_space<hbm>> -> memref<1000000x32xf32, #tpu.memory_space<hbm>>
      tpu.wait_indirect_dma semaphore(%arg12 : memref<!tpu.dma_semaphore, #tpu.memory_space<semaphore_mem>>) src(%dma_wait3A_192 : memref<1000000x32xf32, #tpu.memory_space<hbm>>) dst(%dma_wait3A_186 : memref<128x32xf32, #tpu.memory_space<vmem>>)
      %dma_wait3A_193 = arith.constant 1 : i32
      %dma_wait3A_194 = arith.constant 1 : i32
      %dma_wait3A_195 = arith.constant 128 : i32
      %dma_wait3A_196 = arith.constant 0 : i32
      %dma_wait3A_197 = tpu.memref_slice %arg9[%dma_wait3A_194, %dma_wait3A_195, %dma_wait3A_196] : memref<2x200x32xf32, #tpu.memory_space<vmem>> -> memref<1x72x32xf32, #tpu.memory_space<vmem>>
      %dma_wait3A_198 = tpu.memref_squeeze %dma_wait3A_197 : memref<1x72x32xf32, #tpu.memory_space<vmem>> -> memref<72x32xf32, #tpu.memory_space<vmem>>
      %dma_wait3A_199 = arith.constant 128 : i32
      %dma_wait3A_200 = tpu.memref_slice %arg7[%dma_wait3A_193, %dma_wait3A_199] : memref<2x200xi32, #tpu.memory_space<vmem>> -> memref<1x72xi32, #tpu.memory_space<vmem>>
      %dma_wait3A_201 = tpu.memref_squeeze %dma_wait3A_200 : memref<1x72xi32, #tpu.memory_space<vmem>> -> memref<72xi32, #tpu.memory_space<vmem>>
      %dma_wait3A_202 = arith.constant 0 : i32
      %dma_wait3A_203 = arith.constant 0 : i32
      %dma_wait3A_204 = tpu.memref_slice %arg2[%dma_wait3A_202, %dma_wait3A_203] : memref<1000000x32xf32, #tpu.memory_space<hbm>> -> memref<1000000x32xf32, #tpu.memory_space<hbm>>
      tpu.wait_indirect_dma semaphore(%arg12 : memref<!tpu.dma_semaphore, #tpu.memory_space<semaphore_mem>>) src(%dma_wait3A_204 : memref<1000000x32xf32, #tpu.memory_space<hbm>>) dst(%dma_wait3A_198 : memref<72x32xf32, #tpu.memory_space<vmem>>)
      %ge3A_205 = arith.constant 1 : i32
      %ge3A_206 = arith.cmpi sge, %add3A_152, %ge3A_205 : i32
      %convert_element_type3A_207 = arith.extui %ge3A_206 : i1 to i32
      %cond3A_208 = arith.constant 0 : i32
      %cond3A_209 = arith.cmpi ne, %convert_element_type3A_207, %cond3A_208 : i32
      scf.if %cond3A_209 {
        %sub3A = arith.constant 1 : i32
        %sub3A_233 = arith.subi %add3A_152, %sub3A : i32
        %mul3A_234 = arith.constant 2 : i32
        %mul3A_235 = arith.muli %sub3A_233, %mul3A_234 : i32
        %add3A_236 = arith.addi %mul3A_2, %mul3A_235 : i32
        %multiple_of3A_237 = tpu.assume_multiple %add3A_236, 2 : i32
        %dma_wait3A_238 = arith.constant 0 : i32
        %dma_wait3A_239 = arith.constant 0 : i32
        %dma_wait3A_240 = tpu.memref_slice %arg5[%multiple_of3A_237, %dma_wait3A_238, %dma_wait3A_239] : memref<4096x200x32xf32, #tpu.memory_space<hbm>> -> memref<2x200x32xf32, #tpu.memory_space<hbm>>
        %dma_wait3A_241 = arith.constant 0 : i32
        %dma_wait3A_242 = arith.constant 0 : i32
        %dma_wait3A_243 = tpu.memref_slice %arg5[%multiple_of3A_237, %dma_wait3A_241, %dma_wait3A_242] : memref<4096x200x32xf32, #tpu.memory_space<hbm>> -> memref<2x200x32xf32, #tpu.memory_space<hbm>>
        tpu.wait_dma2 semaphore(%arg13 : memref<!tpu.dma_semaphore, #tpu.memory_space<semaphore_mem>>) src(%arg8 : memref<2x200x32xf32, #tpu.memory_space<vmem>>) dst(%dma_wait3A_243 : memref<2x200x32xf32, #tpu.memory_space<hbm>>)
      } else {
      }
      %add3A_210 = arith.constant 1 : i32
      %add3A_211 = arith.addi %add3A_152, %add3A_210 : i32
      %lt3A_212 = arith.constant 64 : i32
      %lt3A_213 = arith.cmpi slt, %add3A_211, %lt3A_212 : i32
      %convert_element_type3A_214 = arith.extui %lt3A_213 : i1 to i32
      %cond3A_215 = arith.constant 0 : i32
      %cond3A_216 = arith.cmpi ne, %convert_element_type3A_214, %cond3A_215 : i32
      scf.if %cond3A_216 {
        %add3A_233 = arith.constant 1 : i32
        %add3A_234 = arith.addi %add3A_152, %add3A_233 : i32
        %mul3A_235 = arith.constant 2 : i32
        %mul3A_236 = arith.muli %add3A_234, %mul3A_235 : i32
        %add3A_237 = arith.addi %mul3A_2, %mul3A_236 : i32
        %multiple_of3A_238 = tpu.assume_multiple %add3A_237, 2 : i32
        "tpu.region"() ({
          %run_scoped3A = tpu.sem_alloc : memref<!tpu.dma_semaphore, #tpu.memory_space<semaphore_mem>>
          %dma_start3A_291 = arith.constant 0 : i32
          %dma_start3A_292 = tpu.memref_slice %arg3[%multiple_of3A_238, %dma_start3A_291] : memref<4096x200xi32, #tpu.memory_space<hbm>> -> memref<2x200xi32, #tpu.memory_space<hbm>>
          %dma_start3A_293 = arith.constant 0 : i32
          %dma_start3A_294 = tpu.memref_slice %arg3[%multiple_of3A_238, %dma_start3A_293] : memref<4096x200xi32, #tpu.memory_space<hbm>> -> memref<2x200xi32, #tpu.memory_space<hbm>>
          tpu.enqueue_dma source(%dma_start3A_294 : memref<2x200xi32, #tpu.memory_space<hbm>>) target(%arg6 : memref<2x200xi32, #tpu.memory_space<vmem>>) target_semaphore(%run_scoped3A : memref<!tpu.dma_semaphore, #tpu.memory_space<semaphore_mem>>)
          %dma_wait3A_295 = arith.constant 0 : i32
          %dma_wait3A_296 = tpu.memref_slice %arg3[%multiple_of3A_238, %dma_wait3A_295] : memref<4096x200xi32, #tpu.memory_space<hbm>> -> memref<2x200xi32, #tpu.memory_space<hbm>>
          %dma_wait3A_297 = arith.constant 0 : i32
          %dma_wait3A_298 = tpu.memref_slice %arg3[%multiple_of3A_238, %dma_wait3A_297] : memref<4096x200xi32, #tpu.memory_space<hbm>> -> memref<2x200xi32, #tpu.memory_space<hbm>>
          tpu.wait_dma2 semaphore(%run_scoped3A : memref<!tpu.dma_semaphore, #tpu.memory_space<semaphore_mem>>) src(%dma_wait3A_298 : memref<2x200xi32, #tpu.memory_space<hbm>>) dst(%arg6 : memref<2x200xi32, #tpu.memory_space<vmem>>)
          tpu.yield
        }) : () -> ()
        %mul3A_239 = arith.constant 2 : i32
        %mul3A_240 = arith.muli %add3A_234, %mul3A_239 : i32
        %add3A_241 = arith.addi %mul3A_2, %mul3A_240 : i32
        %multiple_of3A_242 = tpu.assume_multiple %add3A_241, 2 : i32
        %dma_start3A_243 = arith.constant 0 : i32
        %dma_start3A_244 = arith.constant 0 : i32
        %dma_start3A_245 = arith.constant 0 : i32
        %dma_start3A_246 = arith.constant 0 : i32
        %dma_start3A_247 = tpu.memref_slice %arg8[%dma_start3A_244, %dma_start3A_245, %dma_start3A_246] : memref<2x200x32xf32, #tpu.memory_space<vmem>> -> memref<1x128x32xf32, #tpu.memory_space<vmem>>
        %dma_start3A_248 = tpu.memref_squeeze %dma_start3A_247 : memref<1x128x32xf32, #tpu.memory_space<vmem>> -> memref<128x32xf32, #tpu.memory_space<vmem>>
        %dma_start3A_249 = arith.constant 0 : i32
        %dma_start3A_250 = tpu.memref_slice %arg6[%dma_start3A_243, %dma_start3A_249] : memref<2x200xi32, #tpu.memory_space<vmem>> -> memref<1x128xi32, #tpu.memory_space<vmem>>
        %dma_start3A_251 = tpu.memref_squeeze %dma_start3A_250 : memref<1x128xi32, #tpu.memory_space<vmem>> -> memref<128xi32, #tpu.memory_space<vmem>>
        %dma_start3A_252 = arith.constant 0 : i32
        %dma_start3A_253 = arith.constant 0 : i32
        %dma_start3A_254 = tpu.memref_slice %arg2[%dma_start3A_252, %dma_start3A_253] : memref<1000000x32xf32, #tpu.memory_space<hbm>> -> memref<1000000x32xf32, #tpu.memory_space<hbm>>
        tpu.enqueue_indirect_dma source(%dma_start3A_254 : memref<1000000x32xf32, #tpu.memory_space<hbm>>) target(%dma_start3A_248 : memref<128x32xf32, #tpu.memory_space<vmem>>) offsets(%dma_start3A_251 : memref<128xi32, #tpu.memory_space<vmem>>) semaphore(%arg11 : memref<!tpu.dma_semaphore, #tpu.memory_space<semaphore_mem>>)
        %dma_start3A_255 = arith.constant 0 : i32
        %dma_start3A_256 = arith.constant 0 : i32
        %dma_start3A_257 = arith.constant 128 : i32
        %dma_start3A_258 = arith.constant 0 : i32
        %dma_start3A_259 = tpu.memref_slice %arg8[%dma_start3A_256, %dma_start3A_257, %dma_start3A_258] : memref<2x200x32xf32, #tpu.memory_space<vmem>> -> memref<1x72x32xf32, #tpu.memory_space<vmem>>
        %dma_start3A_260 = tpu.memref_squeeze %dma_start3A_259 : memref<1x72x32xf32, #tpu.memory_space<vmem>> -> memref<72x32xf32, #tpu.memory_space<vmem>>
        %dma_start3A_261 = arith.constant 128 : i32
        %dma_start3A_262 = tpu.memref_slice %arg6[%dma_start3A_255, %dma_start3A_261] : memref<2x200xi32, #tpu.memory_space<vmem>> -> memref<1x72xi32, #tpu.memory_space<vmem>>
        %dma_start3A_263 = tpu.memref_squeeze %dma_start3A_262 : memref<1x72xi32, #tpu.memory_space<vmem>> -> memref<72xi32, #tpu.memory_space<vmem>>
        %dma_start3A_264 = arith.constant 0 : i32
        %dma_start3A_265 = arith.constant 0 : i32
        %dma_start3A_266 = tpu.memref_slice %arg2[%dma_start3A_264, %dma_start3A_265] : memref<1000000x32xf32, #tpu.memory_space<hbm>> -> memref<1000000x32xf32, #tpu.memory_space<hbm>>
        tpu.enqueue_indirect_dma source(%dma_start3A_266 : memref<1000000x32xf32, #tpu.memory_space<hbm>>) target(%dma_start3A_260 : memref<72x32xf32, #tpu.memory_space<vmem>>) offsets(%dma_start3A_263 : memref<72xi32, #tpu.memory_space<vmem>>) semaphore(%arg11 : memref<!tpu.dma_semaphore, #tpu.memory_space<semaphore_mem>>)
        %dma_start3A_267 = arith.constant 1 : i32
        %dma_start3A_268 = arith.constant 1 : i32
        %dma_start3A_269 = arith.constant 0 : i32
        %dma_start3A_270 = arith.constant 0 : i32
        %dma_start3A_271 = tpu.memref_slice %arg8[%dma_start3A_268, %dma_start3A_269, %dma_start3A_270] : memref<2x200x32xf32, #tpu.memory_space<vmem>> -> memref<1x128x32xf32, #tpu.memory_space<vmem>>
        %dma_start3A_272 = tpu.memref_squeeze %dma_start3A_271 : memref<1x128x32xf32, #tpu.memory_space<vmem>> -> memref<128x32xf32, #tpu.memory_space<vmem>>
        %dma_start3A_273 = arith.constant 0 : i32
        %dma_start3A_274 = tpu.memref_slice %arg6[%dma_start3A_267, %dma_start3A_273] : memref<2x200xi32, #tpu.memory_space<vmem>> -> memref<1x128xi32, #tpu.memory_space<vmem>>
        %dma_start3A_275 = tpu.memref_squeeze %dma_start3A_274 : memref<1x128xi32, #tpu.memory_space<vmem>> -> memref<128xi32, #tpu.memory_space<vmem>>
        %dma_start3A_276 = arith.constant 0 : i32
        %dma_start3A_277 = arith.constant 0 : i32
        %dma_start3A_278 = tpu.memref_slice %arg2[%dma_start3A_276, %dma_start3A_277] : memref<1000000x32xf32, #tpu.memory_space<hbm>> -> memref<1000000x32xf32, #tpu.memory_space<hbm>>
        tpu.enqueue_indirect_dma source(%dma_start3A_278 : memref<1000000x32xf32, #tpu.memory_space<hbm>>) target(%dma_start3A_272 : memref<128x32xf32, #tpu.memory_space<vmem>>) offsets(%dma_start3A_275 : memref<128xi32, #tpu.memory_space<vmem>>) semaphore(%arg11 : memref<!tpu.dma_semaphore, #tpu.memory_space<semaphore_mem>>)
        %dma_start3A_279 = arith.constant 1 : i32
        %dma_start3A_280 = arith.constant 1 : i32
        %dma_start3A_281 = arith.constant 128 : i32
        %dma_start3A_282 = arith.constant 0 : i32
        %dma_start3A_283 = tpu.memref_slice %arg8[%dma_start3A_280, %dma_start3A_281, %dma_start3A_282] : memref<2x200x32xf32, #tpu.memory_space<vmem>> -> memref<1x72x32xf32, #tpu.memory_space<vmem>>
        %dma_start3A_284 = tpu.memref_squeeze %dma_start3A_283 : memref<1x72x32xf32, #tpu.memory_space<vmem>> -> memref<72x32xf32, #tpu.memory_space<vmem>>
        %dma_start3A_285 = arith.constant 128 : i32
        %dma_start3A_286 = tpu.memref_slice %arg6[%dma_start3A_279, %dma_start3A_285] : memref<2x200xi32, #tpu.memory_space<vmem>> -> memref<1x72xi32, #tpu.memory_space<vmem>>
        %dma_start3A_287 = tpu.memref_squeeze %dma_start3A_286 : memref<1x72xi32, #tpu.memory_space<vmem>> -> memref<72xi32, #tpu.memory_space<vmem>>
        %dma_start3A_288 = arith.constant 0 : i32
        %dma_start3A_289 = arith.constant 0 : i32
        %dma_start3A_290 = tpu.memref_slice %arg2[%dma_start3A_288, %dma_start3A_289] : memref<1000000x32xf32, #tpu.memory_space<hbm>> -> memref<1000000x32xf32, #tpu.memory_space<hbm>>
        tpu.enqueue_indirect_dma source(%dma_start3A_290 : memref<1000000x32xf32, #tpu.memory_space<hbm>>) target(%dma_start3A_284 : memref<72x32xf32, #tpu.memory_space<vmem>>) offsets(%dma_start3A_287 : memref<72xi32, #tpu.memory_space<vmem>>) semaphore(%arg11 : memref<!tpu.dma_semaphore, #tpu.memory_space<semaphore_mem>>)
      } else {
      }
      %scan3A_217 = arith.constant 0 : i32
      %scan3A_218 = arith.constant 0 : i32
      %scan3A_219 = arith.constant 200 : i32
      %scan3A_220 = arith.addi %scan3A_218, %scan3A_219 : i32
      %scan3A_221 = arith.constant 1 : i32
      scf.for %scan3A_233 = %scan3A_218 to %scan3A_220 step %scan3A_221  : i32 {
        %get3A = arith.index_cast %scan3A_233 : i32 to index
        %get3A_234 = arith.constant 0 : index
        %get3A_235 = tpu.vector_load %arg10[%get3A, %get3A_234] {strides = array<i32>} : memref<200x32xf32, #tpu.memory_space<vmem>>, vector<1x16xf32>,
        %get3A_236 = vector.shape_cast %get3A_235 : vector<1x16xf32> to vector<16xf32>
        %get3A_237 = arith.index_cast %scan3A_233 : i32 to index
        %get3A_238 = arith.constant 16 : index
        %get3A_239 = tpu.vector_load %arg10[%get3A_237, %get3A_238] {strides = array<i32>} : memref<200x32xf32, #tpu.memory_space<vmem>>, vector<1x16xf32>,
        %get3A_240 = vector.shape_cast %get3A_239 : vector<1x16xf32> to vector<16xf32>
        %get3A_241 = arith.constant 0 : i32
        %get3A_242 = arith.index_cast %get3A_241 : i32 to index
        %get3A_243 = arith.index_cast %scan3A_233 : i32 to index
        %get3A_244 = arith.constant 0 : index
        %get3A_245 = tpu.vector_load %arg9[%get3A_242, %get3A_243, %get3A_244] {strides = array<i32>} : memref<2x200x32xf32, #tpu.memory_space<vmem>>, vector<1x1x16xf32>,
        %get3A_246 = vector.shape_cast %get3A_245 : vector<1x1x16xf32> to vector<16xf32>
        %add3A_247 = arith.addf %get3A_246, %get3A_236 : vector<16xf32>
        %swap3A = arith.constant 0 : i32
        %swap3A_248 = arith.index_cast %swap3A : i32 to index
        %swap3A_249 = arith.index_cast %scan3A_233 : i32 to index
        %swap3A_250 = arith.constant 0 : index
        %swap3A_251 = tpu.vector_load %arg9[%swap3A_248, %swap3A_249, %swap3A_250] {strides = array<i32>} : memref<2x200x32xf32, #tpu.memory_space<vmem>>, vector<1x1x16xf32>,
        %swap3A_252 = vector.shape_cast %swap3A_251 : vector<1x1x16xf32> to vector<16xf32>
        %swap3A_253 = vector.shape_cast %add3A_247 : vector<16xf32> to vector<1x1x16xf32>
        tpu.vector_store %arg9[%swap3A_248, %swap3A_249, %swap3A_250], %swap3A_253 {strides = array<i32>} : memref<2x200x32xf32, #tpu.memory_space<vmem>>, vector<1x1x16xf32>,
        %get3A_254 = arith.constant 0 : i32
        %get3A_255 = arith.index_cast %get3A_254 : i32 to index
        %get3A_256 = arith.index_cast %scan3A_233 : i32 to index
        %get3A_257 = arith.constant 16 : index
        %get3A_258 = tpu.vector_load %arg9[%get3A_255, %get3A_256, %get3A_257] {strides = array<i32>} : memref<2x200x32xf32, #tpu.memory_space<vmem>>, vector<1x1x16xf32>,
        %get3A_259 = vector.shape_cast %get3A_258 : vector<1x1x16xf32> to vector<16xf32>
        %add3A_260 = arith.addf %get3A_259, %get3A_240 : vector<16xf32>
        %swap3A_261 = arith.constant 0 : i32
        %swap3A_262 = arith.index_cast %swap3A_261 : i32 to index
        %swap3A_263 = arith.index_cast %scan3A_233 : i32 to index
        %swap3A_264 = arith.constant 16 : index
        %swap3A_265 = tpu.vector_load %arg9[%swap3A_262, %swap3A_263, %swap3A_264] {strides = array<i32>} : memref<2x200x32xf32, #tpu.memory_space<vmem>>, vector<1x1x16xf32>,
        %swap3A_266 = vector.shape_cast %swap3A_265 : vector<1x1x16xf32> to vector<16xf32>
        %swap3A_267 = vector.shape_cast %add3A_260 : vector<16xf32> to vector<1x1x16xf32>
        tpu.vector_store %arg9[%swap3A_262, %swap3A_263, %swap3A_264], %swap3A_267 {strides = array<i32>} : memref<2x200x32xf32, #tpu.memory_space<vmem>>, vector<1x1x16xf32>,
        %get3A_268 = arith.constant 1 : i32
        %get3A_269 = arith.index_cast %get3A_268 : i32 to index
        %get3A_270 = arith.index_cast %scan3A_233 : i32 to index
        %get3A_271 = arith.constant 0 : index
        %get3A_272 = tpu.vector_load %arg9[%get3A_269, %get3A_270, %get3A_271] {strides = array<i32>} : memref<2x200x32xf32, #tpu.memory_space<vmem>>, vector<1x1x16xf32>,
        %get3A_273 = vector.shape_cast %get3A_272 : vector<1x1x16xf32> to vector<16xf32>
        %add3A_274 = arith.addf %get3A_273, %get3A_236 : vector<16xf32>
        %swap3A_275 = arith.constant 1 : i32
        %swap3A_276 = arith.index_cast %swap3A_275 : i32 to index
        %swap3A_277 = arith.index_cast %scan3A_233 : i32 to index
        %swap3A_278 = arith.constant 0 : index
        %swap3A_279 = tpu.vector_load %arg9[%swap3A_276, %swap3A_277, %swap3A_278] {strides = array<i32>} : memref<2x200x32xf32, #tpu.memory_space<vmem>>, vector<1x1x16xf32>,
        %swap3A_280 = vector.shape_cast %swap3A_279 : vector<1x1x16xf32> to vector<16xf32>
        %swap3A_281 = vector.shape_cast %add3A_274 : vector<16xf32> to vector<1x1x16xf32>
        tpu.vector_store %arg9[%swap3A_276, %swap3A_277, %swap3A_278], %swap3A_281 {strides = array<i32>} : memref<2x200x32xf32, #tpu.memory_space<vmem>>, vector<1x1x16xf32>,
        %get3A_282 = arith.constant 1 : i32
        %get3A_283 = arith.index_cast %get3A_282 : i32 to index
        %get3A_284 = arith.index_cast %scan3A_233 : i32 to index
        %get3A_285 = arith.constant 16 : index
        %get3A_286 = tpu.vector_load %arg9[%get3A_283, %get3A_284, %get3A_285] {strides = array<i32>} : memref<2x200x32xf32, #tpu.memory_space<vmem>>, vector<1x1x16xf32>,
        %get3A_287 = vector.shape_cast %get3A_286 : vector<1x1x16xf32> to vector<16xf32>
        %add3A_288 = arith.addf %get3A_287, %get3A_240 : vector<16xf32>
        %swap3A_289 = arith.constant 1 : i32
        %swap3A_290 = arith.index_cast %swap3A_289 : i32 to index
        %swap3A_291 = arith.index_cast %scan3A_233 : i32 to index
        %swap3A_292 = arith.constant 16 : index
        %swap3A_293 = tpu.vector_load %arg9[%swap3A_290, %swap3A_291, %swap3A_292] {strides = array<i32>} : memref<2x200x32xf32, #tpu.memory_space<vmem>>, vector<1x1x16xf32>,
        %swap3A_294 = vector.shape_cast %swap3A_293 : vector<1x1x16xf32> to vector<16xf32>
        %swap3A_295 = vector.shape_cast %add3A_288 : vector<16xf32> to vector<1x1x16xf32>
        tpu.vector_store %arg9[%swap3A_290, %swap3A_291, %swap3A_292], %swap3A_295 {strides = array<i32>} : memref<2x200x32xf32, #tpu.memory_space<vmem>>, vector<1x1x16xf32>,
      }
      %scan3A_222 = arith.constant 200 : i32
      %mul3A_223 = arith.constant 2 : i32
      %mul3A_224 = arith.muli %add3A_152, %mul3A_223 : i32
      %add3A_225 = arith.addi %mul3A_2, %mul3A_224 : i32
      %multiple_of3A_226 = tpu.assume_multiple %add3A_225, 2 : i32
      %dma_start3A_227 = arith.constant 0 : i32
      %dma_start3A_228 = arith.constant 0 : i32
      %dma_start3A_229 = tpu.memref_slice %arg5[%multiple_of3A_226, %dma_start3A_227, %dma_start3A_228] : memref<4096x200x32xf32, #tpu.memory_space<hbm>> -> memref<2x200x32xf32, #tpu.memory_space<hbm>>
      %dma_start3A_230 = arith.constant 0 : i32
      %dma_start3A_231 = arith.constant 0 : i32
      %dma_start3A_232 = tpu.memref_slice %arg5[%multiple_of3A_226, %dma_start3A_230, %dma_start3A_231] : memref<4096x200x32xf32, #tpu.memory_space<hbm>> -> memref<2x200x32xf32, #tpu.memory_space<hbm>>
      tpu.enqueue_dma source(%arg9 : memref<2x200x32xf32, #tpu.memory_space<vmem>>) target(%dma_start3A_232 : memref<2x200x32xf32, #tpu.memory_space<hbm>>) target_semaphore(%arg14 : memref<!tpu.dma_semaphore, #tpu.memory_space<semaphore_mem>>)
    }
    %scan3A_59 = arith.constant 32 : i32
    %add3A_60 = arith.constant 126 : i32
    %add3A_61 = arith.addi %mul3A_2, %add3A_60 : i32
    %multiple_of3A_62 = tpu.assume_multiple %add3A_61, 2 : i32
    %dma_wait3A = arith.constant 0 : i32
    %dma_wait3A_63 = arith.constant 0 : i32
    %dma_wait3A_64 = tpu.memref_slice %arg5[%multiple_of3A_62, %dma_wait3A, %dma_wait3A_63] : memref<4096x200x32xf32, #tpu.memory_space<hbm>> -> memref<2x200x32xf32, #tpu.memory_space<hbm>>
    %dma_wait3A_65 = arith.constant 0 : i32
    %dma_wait3A_66 = arith.constant 0 : i32
    %dma_wait3A_67 = tpu.memref_slice %arg5[%multiple_of3A_62, %dma_wait3A_65, %dma_wait3A_66] : memref<4096x200x32xf32, #tpu.memory_space<hbm>> -> memref<2x200x32xf32, #tpu.memory_space<hbm>>
    tpu.wait_dma2 semaphore(%arg14 : memref<!tpu.dma_semaphore, #tpu.memory_space<semaphore_mem>>) src(%arg9 : memref<2x200x32xf32, #tpu.memory_space<vmem>>) dst(%dma_wait3A_67 : memref<2x200x32xf32, #tpu.memory_space<hbm>>)
    return
  }
}

</mosaic_0001>

<sc_bundles>
// kernel: kernel.3.cloned.1.call-start
scs
__scs_entry_jumppad:
0x0: {  	(pc) =	sbr.rel $0x88, $3  }
0x1: {  	(tag) =	ssettag $0x0;
	lr =	simm.s32 $0x1  }
0x2: {  	[smem:$0x3F9E] =	sst lr;
	_ =	strace $0xD0000000  }
0x3: {  	_ = 	snop  }
0x4: {  	_ = 	snop  }
0x5: {  	_ = 	snop  }
0x6: {  	_ = 	snop  }
0x7: {  	_ = 	snop  }
__scs_overlays_trampoline_lowered:
0x8: {  	[smem:$0x3FAD] =	sst s0  }
0x9: {  	[smem:$0x3FAE] =	sst s1  }
0xa: {  	[smem:$0x3FAF] =	sst s2  }
0xb: {  	[smem:$0x3FB0] =	sst s3  }
0xc: {  	[smem:$0x3FB1] =	sst s4  }
0xd: {  	[smem:$0x3FB2] =	sst s5  }
0xe: {  	[smem:$0x3FB3] =	sst s6  }
0xf: {  	[smem:$0x3FB4] =	sst s7  }
0x10: {  	[smem:$0x3FB5] =	sst s8  }
0x11: {  	[smem:$0x3FB6] =	sst s9;
	s0 =	simm.s32 @!p0 $0x0  }
0x12: {  	s1 =	sld [smem:$0x3F9C];
	s0 =	simm.s32 @p0 $0x1  }
0x13: {  	[smem:$0x3FB7] =	sst s0;
	s0 =	simm.s32 @!p1 $0x0  }
0x14: {  	s2 =	sld [smem:$0x3F9B];
	s0 =	simm.s32 @p1 $0x1  }
0x15: {  	[smem:$0x3FB8] =	sst s0;
	s0 =	simm.s32 @!p2 $0x0  }
0x16: {  	s3 =	sld [smem:$0x3FDB];
	s0 =	simm.s32 @p2 $0x1  }
0x17: {  	s4 =	simm.s32 $0x1BF5;
	[smem:$0x3FBA] =	sst s0  }
0x18: {  	s0 =	sld [smem:$0x3F9D];
	_ =	swait.ge [sflag:s4], $0x0  }
0x19: {  	s7 =	sld [smem:$0x3F9E]  }
0x1a: {  	s8 =	sadd.s32 $0xFFFFE003, lr  }
0x1b: {  	s9 =	sadd.s32 $0xFFFFFEF7, lr;
	s5 =	simm.s32 $0xFFFFFFFF;
	p2 =	slt.u32 s8, $0xFFFFF086  }
0x1c: {  	p1 =	slt.u32 s9, $0xF7A;
	s5 =	simm.s32 @!p2 $0x0  }
0x1d: {  	s5 =	simm.s32 @p1 $0x1;
	p0 =	seq.s32 s7, s2  }
0x1e: {  	s7 =	smul.u32 @!p0 $0xF7A, s2;
	p2 =	seq.s32 @!p0 s5, $0x0  }
0x1f: {  	s9 =	smul.u32 $0xF7A, s1;
	s8 =	simm.s32 @!p0 $0x1BF5;
	p2 =	por !p2, p0  }
0x20: {  	[sflag:s8] =	ssyncset.s32 @!p0 $0xFFFFF086;
	s6 =	sadd.s32 @!p0 s3, s7;
	s7 =	simm.s32 @!p0 $0x108  }
0x21: {  	s3 =	sadd.s32 s3, s9;
	s6 =	sadd.s32 @!p0 $0x88, s6;
	s7 =	simm.s32 @p2 $0x1082  }
0x22: {  	[simem:s7], [sflag:s8] =	dma.local @!p0 [hbm:s6], $0xF7A  }
0x23: {  	s9 =	sor.u32 $0xD0000000, s2;
	s6 =	simm.s32 $0x108;
	_ =	swait.ge @!p0 [sflag:s8], $0x0  }
0x24: {  	s3 =	sadd.s32 $0x88, s3;
	s6 =	simm.s32 @!p1 $0x1082;
	[sflag:s4] =	ssyncset.s32 $0xFFFFF086  }
0x25: {  	[simem:s6], [sflag:s4] =	dma.local [hbm:s3], $0xF7A  }
0x26: {  	[smem:$0x3F9E] =	sst s1;
	(tag) =	ssettag s2;
	_ =	strace s9  }
0x27: {  	s1 =	sld [smem:$0x3FAE]  }
0x28: {  	s2 =	sld [smem:$0x3FAF]  }
0x29: {  	s4 =	sld [smem:$0x3FB1]  }
0x2a: {  	p0 =	seq.s32 s5, $0x0;
	s5 =	sld [smem:$0x3FB2]  }
0x2b: {  	s6 =	sld [smem:$0x3FB3]  }
0x2c: {  	s7 =	sld [smem:$0x3FB4]  }
0x2d: {  	s3 =	simm.s32 $0x108;
	s8 =	sld [smem:$0x3FB5]  }
0x2e: {  	s3 =	simm.s32 @!p0 $0x1082;
	s9 =	sld [smem:$0x3FB6]  }
0x2f: {  	lr =	sadd.s32 s0, s3;
	s0 =	sld [smem:$0x3FAD]  }
0x30: {  	s3 =	sld [smem:$0x3FB0]  }
0x31: {  	[smem:$0x3FB9] =	sst s10  }
0x32: {  	s10 =	sld [smem:$0x3FB7];
	_ =	sdelay $0x3  }
0x33: {  	p0 =	seq.s32 s10, $0x1;
	s10 =	sld [smem:$0x3FB9];
	_ =	sdelay $0x3  }
0x34: {  	[smem:$0x3FB9] =	sst s10  }
0x35: {  	s10 =	sld [smem:$0x3FB8];
	_ =	sdelay $0x3  }
0x36: {  	p1 =	seq.s32 s10, $0x1;
	s10 =	sld [smem:$0x3FB9];
	_ =	sdelay $0x3  }
0x37: {  	[smem:$0x3FB9] =	sst s10  }
0x38: {  	s10 =	sld [smem:$0x3FBA]  }
0x39: {  	_ = 	snop;
	(pc) =	sbr.ind lr, $3  }
0x3a: {  	_ = 	snop  }
0x3b: {  	_ = 	snop  }
0x3c: {  	p2 =	seq.s32 s10, $0x1;
	s10 =	sld [smem:$0x3FB9]  }
0x3d: {  	_ =	shalt  }
0x3e: {  	_ =	shalt  }
0x3f: {  	_ =	shalt  }
0x40: {  	_ =	shalt  }
0x41: {  	_ =	shalt  }
0x42: {  	_ =	shalt  }
0x43: {  	_ =	shalt  }
0x44: {  	_ =	shalt  }
0x45: {  	_ =	shalt  }
0x46: {  	_ =	shalt  }
0x47: {  	_ =	shalt  }
0x48: {  	_ =	shalt  }
0x49: {  	_ =	shalt  }
0x4a: {  	_ =	shalt  }
0x4b: {  	_ =	shalt  }
0x4c: {  	_ =	shalt  }
0x4d: {  	_ =	shalt  }
0x4e: {  	_ =	shalt  }
0x4f: {  	_ =	shalt  }
0x50: {  	_ =	shalt  }
0x51: {  	_ =	shalt  }
0x52: {  	_ =	shalt  }
0x53: {  	_ =	shalt  }
0x54: {  	_ =	shalt  }
0x55: {  	_ =	shalt  }
0x56: {  	_ =	shalt  }
0x57: {  	_ =	shalt  }
0x58: {  	_ =	shalt  }
0x59: {  	_ =	shalt  }
0x5a: {  	_ =	shalt  }
0x5b: {  	_ =	shalt  }
0x5c: {  	_ =	shalt  }
0x5d: {  	_ =	shalt  }
0x5e: {  	_ =	shalt  }
0x5f: {  	_ =	shalt  }
0x60: {  	_ =	shalt  }
0x61: {  	_ =	shalt  }
0x62: {  	_ =	shalt  }
0x63: {  	_ =	shalt  }
0x64: {  	_ =	shalt  }
0x65: {  	_ =	shalt  }
0x66: {  	_ =	shalt  }
0x67: {  	_ =	shalt  }
0x68: {  	_ =	shalt  }
0x69: {  	_ =	shalt  }
0x6a: {  	_ =	shalt  }
0x6b: {  	_ =	shalt  }
0x6c: {  	_ =	shalt  }
0x6d: {  	_ =	shalt  }
0x6e: {  	_ =	shalt  }
0x6f: {  	_ =	shalt  }
0x70: {  	_ =	shalt  }
0x71: {  	_ =	shalt  }
0x72: {  	_ =	shalt  }
0x73: {  	_ =	shalt  }
0x74: {  	_ =	shalt  }
0x75: {  	_ =	shalt  }
0x76: {  	_ =	shalt  }
0x77: {  	_ =	shalt  }
0x78: {  	_ =	shalt  }
0x79: {  	_ =	shalt  }
0x7a: {  	_ =	shalt  }
0x7b: {  	_ =	shalt  }
0x7c: {  	_ =	shalt  }
0x7d: {  	_ =	shalt  }
0x7e: {  	_ =	shalt  }
0x7f: {  	_ =	shalt  }
0x80: {  	_ =	shalt  }
0x81: {  	_ =	shalt  }
0x82: {  	_ =	shalt  }
0x83: {  	_ =	shalt  }
0x84: {  	_ =	shalt  }
0x85: {  	_ =	shalt  }
0x86: {  	_ =	shalt  }
0x87: {  	_ =	shalt  }
.Lfunc_end0:
.L_simem_size_0:
called_computation.1_lowered:
.L_overlay_start_0:
0x88: {  	s2 =	sld [smem:$0x3FD9]  }
0x89: {  	s3 =	sld [smem:$0x3FFE];
	_ =	sdelay $0x1  }
0x8a: {  	s1 =	srdreg.scid  }
0x8b: {  	s0 =	sand.u32 $0x1, s1  }
0x8c: {  	s17 =	sshll.u32 s0, $0xA;
	s2 =	sadd.s32 s3, s2  }
0x8d: {  	s2 =	sadd.s32 s2, s17  }
0x8e: {  	[smem:$0x3FC5] =	sst s2  }
0x8f: {  	_ = 	snop  }
0x90: {  	s2 =	sld [smem:$0x3FD0];
	(tm) =	ssettm $0x1  }
0x91: {  	s18 =	sld [smem:$0x3FFB];
	_ =	sdelay $0x3  }
0x92: {  	_ =	strace s18  }
0x93: {  	s3 =	sld [smem:$0x3FFC];
	_ =	sdelay $0x3  }
0x94: {  	_ =	strace s3  }
0x95: {  	s3 =	sld [smem:$0x3FFD];
	_ =	sdelay $0x3  }
0x96: {  	_ =	strace s3  }
0x97: {  	_ =	strace $0x8FFFFFFF  }
0x98: {  	s19 =	sld [smem:$0x3FDB];
	_ =	sdelay $0x1  }
0x99: {  	s4 =	simm.s32 $_scs_section_size  }
0x9a: {  	s5 =	simm.s32 $_size__tile_overlayer_lowered;
	s6 =	simm.s32 $_tile_overlayer_lowered  }
0x9b: {  	s22 =	simm.s32 $0x1BFF;
	s21 =	sshll.u32 s6, $0x1;
	s3 =	sadd.s32 s4, s19  }
0x9c: {  	s7 =	simm.s32 $0x0;
	s20 =	sshll.u32 s5, $0x1;
	s5 =	sadd.s32 s21, s3  }
0x9d: {  	[timem:s7], [sflag:s22] =	dma.local [hbm:s5], s20  }
0x9e: {  	_ =	swait.ge [sflag:s22], s20  }
0x9f: {  	s4 =	ssub.s32 $0x0, s20;
	[sflag:s22] =	ssyncset.done $0x0  }
0xa0: {  	[sflag:s22] =	ssyncadd.s32 s4;
	_ =	sdelay $0x1  }
0xa1: {  	s23 =	simm.s32 $0x1B8B  }
0xa2: {  	_ =	swait.ge [sflag:s23], $0x1  }
0xa3: {  	[sflag:s23] =	ssyncset.done $0x0  }
0xa4: {  	s25 =	simm.s32 $0x1B8E;
	s24 =	sld [smem:$0x3FFE];
	[sflag:s23] =	ssyncadd.s32 $0xFFFFFFFF  }
0xa5: {  	s26 =	simm.s32 $execute0_lowered;
	[smem:$0x3FD2] =	sst s25  }
0xa6: {  	s5 =	sshll.u32 s26, $0x1;
	_ =	strace $0x80000046;
	[dreg:$0x1] =	wrdreg $0xFFFFFFFF  }
0xa7: {  	s28 =	simm.s32 $_size_execute0_lowered;
	s3 =	sadd.s32 s3, s5;
	[dreg:$0x0] =	wrdreg $0x0  }
0xa8: {  	s5 =	sshll.u32 s28, $0x1;
	[dreg:$0x2] =	wrdreg s3  }
0xa9: {  	[dreg:$0x3] =	wrdreg s5  }
0xaa: {  	[dreg:$0x4] =	wrdreg $0xC0  }
0xab: {  	_ =	task [dreg:s7], $0x5FFFF  }
0xac: {  	[dreg:$0x1] =	wrdreg $0xFFFFFFFF  }
0xad: {  	[dreg:$0x0] =	wrdreg $0x60  }
0xae: {  	[dreg:$0x2] =	wrdreg s24  }
0xaf: {  	[dreg:$0x3] =	wrdreg s2  }
0xb0: {  	[dreg:$0x4] =	wrdreg $0x9  }
0xb1: {  	_ =	task.clear_ibuf [dreg:s7], $0x5FFFF;
	_ =	strace $0x90000046  }
0xb2: {  	s29 =	simm.s32 $0x9;
	_ =	strace $0x80000048  }
0xb3: {  	_ =	swait.ge [sflag:s29], $0x1  }
0xb4: {  	[sflag:s29] =	ssyncadd.s32 $0xFFFFFFFF  }
0xb5: {  	_ =	strace $0x90000048  }
0xb6: {  	_ =	sfence  }
0xb7: {  	s30 =	sld [smem:$0x0];
	_ =	sdelay $0x2  }
0xb8: {  	s31 =	sshll.u32 s1, $0xD;
	s1 =	sshrl.u32 s1, $0x2  }
0xb9: {  	s3 =	sand.u32 $0x4000, s31;
	s1 =	sadd.s32 s1, s30  }
0xba: {  	s0 =	sor.u32 s3, s0;
	s1 =	sshll.u32 s1, $0x11  }
0xbb: {  	s0 =	sor.u32 s1, s0  }
0xbc: {  	s0 =	sadd.s32 $0x8F2B, s0  }
0xbd: {  	[sflag:s0] =	ssyncadd.remote.s32 $0x1  }
0xbe: {  	_ =	sfence.sel $0xFFFF  }
0xbf: {  	[dreg:$0x0] =	wrdreg $0xFFFFFFFF;
	(pc) =	sbr.abs _section_cstart, $3  }
0xc0: {  	[dreg:$0x1] =	wrdreg $0xFFFFFFFF  }
0xc1: {  	_ =	task.clear_ibuf [dreg:s7], $0x2FFFF;
	_ =	strace $0x9FFFFFFF  }
0xc2: {  	(tm) =	ssettm $0x7FFFFFFF  }
0xc3: {  	_ =	shalt  }
tec
execute0_lowered:
.L_overlay_start_1:
0x0: {  	(tag) =	ssettag $0x1  }
0x1: {  	s0 =	rddreg [dreg:$0x0]  }
0x2: {  	s2 =	rddreg [dreg:$0x1]  }
0x3: {  	s1 =	srdreg.scid;
	s3 =	simm.s32 $0x0;
	s4 =	stileid.u32  }
0x4: {  	s13 =	simm.s32 $0x5;
	s14 =	simm.s32 $0x80;
	s15 =	simm.s32 $0x320  }
0x5: {  	s16 =	simm.s32 $0x48;
	s22 =	simm.s32 $0x1;
	s23 =	simm.s32 $0x190  }
0x6: {  	s24 =	simm.s32 $0x3520;
	s28 =	simm.s32 $0x258;
	s29 =	simm.s32 $0x4E20  }
0x7: {  	s30 =	simm.s32 $0x2D8;
	s31 =	simm.s32 $0x5E20;
	s12 =	simm.s32 $0x4  }
0x8: {  	s17 =	simm.s32 $0x0;
	s1 =	sand.u32 $0x1, s1;
	[smem:$0x7FF] =	sst s3  }
0x9: {  	s4 =	sshll.u32 s4, $0x8;
	s6 =	sadd.s32 $0xE00, s0;
	s5 =	sshll.u32 s1, $0x7  }
0xa: {  	_ =	strace $0x80000047;
	s1 =	ssub.s32 $0x2, s1;
	s4 =	sor.u32 s5, s4  }
0xb: {  	s5 =	sadd.s32 $0xF43200, s0;
	s7 =	sshrl.u32 s1, $0x1;
	s0 =	sadd.s32 $0x19E00, s0  }
0xc: {  	s8 =	smul.u32 $0x19, s4;
	[dreg:$0x3] =	wrdreg s0;
	s25 =	ssub.s32 s1, s7  }
0xd: {  	s9 =	sor.u32 $0x2, s4;
	s10 =	sor.u32 $0x4, s4;
	s0 =	simm.s32 $0x2  }
0xe: {  	s1 =	simm.s32 $0x3;
	s11 =	smax.u32 s25, $0x1;
	s26 =	sadd.s32 s6, s8  }
0xf: {  	s25 =	simm.s32 $0x210;
	[dreg:$0x4] =	wrdreg s26;
	s26 =	simm.s32 $0x4520  }
.LBB2_1:
0x10: {  	s7 =	rddreg [dreg:$0x3];
	s8 =	simm.s32 $0x6720  }
0x11: {  	[tilespmem:s8], [sflag:$0x5] =	stream.linear.gather [hbm4b:s7+s3], $0x1900, $0x38;
	[tilespmem:$0x8020] =	vst v63  }
0x12: {  	_ =	swait.ge [sflag:s13], $0x1900  }
0x13: {  	[sflag:s13] =	ssyncset.done $0x0  }
0x14: {  	s21 =	rddreg [dreg:$0x4];
	[sflag:s13] =	ssyncadd.s32 $0xFFFFE700  }
0x15: {  	[tilespmem:s3], [sflag:$0x5] =	stream.linear.gather [hbm4b:s21+s3], $0x190, $0x38;
	[tilespmem:$0x8020] =	vst v63  }
0x16: {  	_ =	swait.ge [sflag:s13], $0x190  }
0x17: {  	[sflag:s13] =	ssyncset.done $0x0  }
0x18: {  	[sflag:s13] =	ssyncadd.s32 $0xFFFFFE70  }
0x19: {  	[tilespmem:s15], [sflag:$0x1] =	stream.indirect.gather [hbm4b:s5+s14], $0x20, s3, s14, $0xb8;
	[tilespmem:$0x8020] =	vst v63  }
0x1a: {  	s8 =	simm.s32 $0x1320  }
0x1b: {  	[tilespmem:s8], [sflag:$0x1] =	stream.indirect.gather [hbm4b:s5+s16], $0x20, s14, s16, $0xb8;
	[tilespmem:$0x8020] =	vst v63  }
0x1c: {  	s18 =	simm.s32 $0xC8;
	s19 =	simm.s32 $0x1C20  }
0x1d: {  	[tilespmem:s19], [sflag:$0x1] =	stream.indirect.gather [hbm4b:s5+s14], $0x20, s18, s14, $0xb8;
	[tilespmem:$0x8020] =	vst v63  }
0x1e: {  	s20 =	simm.s32 $0x148;
	s21 =	simm.s32 $0x2C20;
	s18 =	simm.s32 $0x0  }
0x1f: {  	[tilespmem:s21], [sflag:$0x1] =	stream.indirect.gather [hbm4b:s5+s16], $0x20, s20, s16, $0xb8;
	[tilespmem:$0x8020] =	vst v63  }
.LBB2_2:
0x20: {  	_ =	swait.ge [sflag:s22], $0x1000  }
0x21: {  	[sflag:s22] =	ssyncset.done $0x0  }
0x22: {  	[sflag:s22] =	ssyncadd.s32 $0xFFFFF000  }
0x23: {  	_ =	swait.ge [sflag:s22], $0x900  }
0x24: {  	[sflag:s22] =	ssyncset.done $0x0  }
0x25: {  	[sflag:s22] =	ssyncadd.s32 $0xFFFFF700  }
0x26: {  	_ =	swait.ge [sflag:s22], $0x1000  }
0x27: {  	[sflag:s22] =	ssyncset.done $0x0  }
0x28: {  	[sflag:s22] =	ssyncadd.s32 $0xFFFFF000  }
0x29: {  	_ =	swait.ge [sflag:s22], $0x900  }
0x2a: {  	s20 =	sshll.u32 s18, $0x2;
	p0 =	seq.s32 s18, $0x0;
	[sflag:s22] =	ssyncset.done $0x0  }
0x2b: {  	s7 =	simm.s32 @!p0 $0x4;
	s19 =	sadd.s32 s9, s20;
	[sflag:s22] =	ssyncadd.s32 $0xFFFFF700  }
0x2c: {  	s21 =	smul.u32 $0x19, s19;
	_ =	swait.ge @!p0 [sflag:s7], $0x3200  }
0x2d: {  	[sflag:s7] =	ssyncset.done @!p0 $0x0  }
0x2e: {  	s8 =	simm.s32 $0x0;
	s21 =	sadd.s32 s6, s21;
	[sflag:s7] =	ssyncadd.s32 @!p0 $0xFFFFCE00  }
0x2f: {  	[tilespmem:s23], [sflag:$0x5] =	stream.linear.gather [hbm4b:s21+s8], $0x190, $0x38;
	[tilespmem:$0x8020] =	vst v63  }
0x30: {  	_ =	swait.ge [sflag:s13], $0x190  }
0x31: {  	[sflag:s13] =	ssyncset.done $0x0  }
0x32: {  	[sflag:s13] =	ssyncadd.s32 $0xFFFFFE70  }
0x33: {  	[tilespmem:s24], [sflag:$0x2] =	stream.indirect.gather [hbm4b:s5+s14], $0x20, s23, s14, $0xb8;
	[tilespmem:$0x8020] =	vst v63  }
0x34: {  	_ = 	snop  }
0x35: {  	[tilespmem:s26], [sflag:$0x2] =	stream.indirect.gather [hbm4b:s5+s16], $0x20, s25, s16, $0xb8;
	[tilespmem:$0x8020] =	vst v63  }
0x36: {  	_ = 	snop  }
0x37: {  	[tilespmem:s29], [sflag:$0x2] =	stream.indirect.gather [hbm4b:s5+s14], $0x20, s28, s14, $0xb8;
	[tilespmem:$0x8020] =	vst v63  }
0x38: {  	s21 =	simm.s32 $0x0  }
0x39: {  	[tilespmem:s31], [sflag:$0x2] =	stream.indirect.gather [hbm4b:s5+s16], $0x20, s30, s16, $0xb8;
	[tilespmem:$0x8020] =	vst v63  }
0x3a: {  	v1 =	vld [tilespmem:s21+$0x6720]  }
0x3b: {  	v0 =	vld [tilespmem:s21+$0x6730]  }
0x3c: {  	v3 =	vld [tilespmem:s21+$0x320]  }
0x3d: {  	v4 =	vld [tilespmem:s21+$0x330]  }
0x3e: {  	s7 =	simm.s32 $0x80;
	v2 =	vld [tilespmem:s21+$0x1C20]  }
.LBB2_3:
0x3f: {  	p0 =	sne.s32 s7, $0x6380;
	v5 =	vld [tilespmem:s21+$0x1C30];
	v6 =	vmov v1  }
0x40: {  	v7 =	vmov v0  }
0x41: {  	s8 =	sshra.s32 s7, $0x2;
	v3 =	vadd.f32 v3, v6  }
.Ltmp0:
0x42: {  	v1 =	vld [tilespmem:s8+$0x6720];
	v4 =	vadd.f32 v4, v7;
	(pc) =	sbr.rel @p0 .LBB2_3-.Ltmp0, $4  }
0x43: {  	v0 =	vld [tilespmem:s8+$0x6730];
	[tilespmem:s21+$0x320] =	vst v3;
	v2 =	vadd.f32 v2, v6  }
0x44: {  	v3 =	vld [tilespmem:s8+$0x320];
	[tilespmem:s21+$0x330] =	vst v4;
	v5 =	vadd.f32 v5, v7  }
0x45: {  	v4 =	vld [tilespmem:s8+$0x330];
	[tilespmem:s21+$0x1C20] =	vst v2  }
0x46: {  	s7 =	sadd.s32 $0x80, s7;
	v2 =	vld [tilespmem:s8+$0x1C20];
	[tilespmem:s21+$0x1C30] =	vst v5;
	s21 =	smov.u32 s8  }
0x47: {  	v5 =	vld [tilespmem:s21+$0x1C30];
	_ =	sdelay $0x1  }
0x48: {  	v3 =	vadd.f32 v3, v1  }
0x49: {  	v4 =	vadd.f32 v4, v0  }
0x4a: {  	s7 =	sadd.s32 s4, s20;
	[tilespmem:s21+$0x320] =	vst v3;
	v1 =	vadd.f32 v2, v1  }
0x4b: {  	s7 =	smul.u32 $0x320, s7;
	[tilespmem:s21+$0x330] =	vst v4;
	v0 =	vadd.f32 v5, v0  }
0x4c: {  	[tilespmem:s21+$0x1C20] =	vst v1  }
0x4d: {  	s7 =	sadd.s32 s2, s7;
	[tilespmem:s21+$0x1C30] =	vst v0  }
0x4e: {  	[hbm4b:s7+s3] =	stream.linear.scatter [tilespmem:s15], [sflag:$0x3], $0x3200, $0x38;
	[tilespmem:$0x8020] =	vst v63  }
0x4f: {  	_ =	swait.ge [sflag:s0], $0x1000  }
0x50: {  	[sflag:s0] =	ssyncset.done $0x0  }
0x51: {  	[sflag:s0] =	ssyncadd.s32 $0xFFFFF000  }
0x52: {  	_ =	swait.ge [sflag:s0], $0x900  }
0x53: {  	[sflag:s0] =	ssyncset.done $0x0  }
0x54: {  	[sflag:s0] =	ssyncadd.s32 $0xFFFFF700  }
0x55: {  	_ =	swait.ge [sflag:s0], $0x1000  }
0x56: {  	[sflag:s0] =	ssyncset.done $0x0  }
0x57: {  	[sflag:s0] =	ssyncadd.s32 $0xFFFFF000  }
0x58: {  	_ =	swait.ge [sflag:s0], $0x900  }
0x59: {  	p0 =	seq.s32 s18, $0x1F;
	[sflag:s0] =	ssyncset.done $0x0  }
0x5a: {  	s7 =	sadd.s32 @!p0 s20, s10;
	[sflag:s0] =	ssyncadd.s32 $0xFFFFF700  }
0x5b: {  	s7 =	smul.u32 @!p0 $0x19, s7;
	_ =	swait.ge [sflag:s1], $0x3200  }
0x5c: {  	[sflag:s1] =	ssyncset.done $0x0  }
0x5d: {  	s8 =	simm.s32 @!p0 $0x0;
	s7 =	sadd.s32 @!p0 s6, s7;
	[sflag:s1] =	ssyncadd.s32 $0xFFFFCE00  }
0x5e: {  	[tilespmem:s8], [sflag:$0x5] =	stream.linear.gather @!p0 [hbm4b:s7+s8], $0x190, $0x38;
	[tilespmem:$0x8020] =	vst v63  }
0x5f: {  	s7 =	simm.s32 @!p0 $0x5  }
0x60: {  	_ =	swait.ge @!p0 [sflag:s7], $0x190  }
0x61: {  	[sflag:s7] =	ssyncset.done @!p0 $0x0  }
0x62: {  	s20 =	simm.s32 @!p0 $0x320;
	[sflag:s7] =	ssyncadd.s32 @!p0 $0xFFFFFE70;
	s7 =	simm.s32 @!p0 $0x80  }
0x63: {  	[tilespmem:s20], [sflag:$0x1] =	stream.indirect.gather @!p0 [hbm4b:s5+s7], $0x20, s8, s7, $0xb8;
	[tilespmem:$0x8020] =	vst v63  }
0x64: {  	s8 =	simm.s32 @!p0 $0x48;
	s20 =	simm.s32 @!p0 $0x1320  }
0x65: {  	[tilespmem:s20], [sflag:$0x1] =	stream.indirect.gather @!p0 [hbm4b:s5+s8], $0x20, s7, s8, $0xb8;
	[tilespmem:$0x8020] =	vst v63  }
0x66: {  	s21 =	simm.s32 @!p0 $0x1C20;
	s20 =	simm.s32 @!p0 $0xC8  }
0x67: {  	[tilespmem:s21], [sflag:$0x1] =	stream.indirect.gather @!p0 [hbm4b:s5+s7], $0x20, s20, s7, $0xb8;
	[tilespmem:$0x8020] =	vst v63  }
0x68: {  	s7 =	simm.s32 @!p0 $0x148;
	s20 =	simm.s32 @!p0 $0x2C20  }
0x69: {  	[tilespmem:s20], [sflag:$0x1] =	stream.indirect.gather @!p0 [hbm4b:s5+s8], $0x20, s7, s8, $0xb8;
	[tilespmem:$0x8020] =	vst v63  }
0x6a: {  	s20 =	simm.s32 $0x0  }
0x6b: {  	v0 =	vld [tilespmem:s20+$0x6720]  }
0x6c: {  	v1 =	vld [tilespmem:s20+$0x6730]  }
0x6d: {  	v3 =	vld [tilespmem:s20+$0x3520]  }
0x6e: {  	v4 =	vld [tilespmem:s20+$0x3530]  }
0x6f: {  	s7 =	simm.s32 $0x80;
	v2 =	vld [tilespmem:s20+$0x4E20]  }
.LBB2_5:
0x70: {  	p0 =	sne.s32 s7, $0x6380;
	v5 =	vld [tilespmem:s20+$0x4E30];
	v6 =	vmov v0  }
0x71: {  	v7 =	vmov v1  }
0x72: {  	s8 =	sshra.s32 s7, $0x2;
	v3 =	vadd.f32 v3, v6  }
.Ltmp1:
0x73: {  	v0 =	vld [tilespmem:s8+$0x6720];
	v4 =	vadd.f32 v4, v7;
	(pc) =	sbr.rel @p0 .LBB2_5-.Ltmp1, $4  }
0x74: {  	v1 =	vld [tilespmem:s8+$0x6730];
	[tilespmem:s20+$0x3520] =	vst v3;
	v2 =	vadd.f32 v2, v6  }
0x75: {  	v3 =	vld [tilespmem:s8+$0x3520];
	[tilespmem:s20+$0x3530] =	vst v4;
	v5 =	vadd.f32 v5, v7  }
0x76: {  	v4 =	vld [tilespmem:s8+$0x3530];
	[tilespmem:s20+$0x4E20] =	vst v2  }
0x77: {  	s7 =	sadd.s32 $0x80, s7;
	v2 =	vld [tilespmem:s8+$0x4E20];
	[tilespmem:s20+$0x4E30] =	vst v5;
	s20 =	smov.u32 s8  }
0x78: {  	v5 =	vld [tilespmem:s20+$0x4E30];
	_ =	sdelay $0x1  }
0x79: {  	s18 =	sadd.s32 $0x1, s18;
	v3 =	vadd.f32 v3, v0  }
0x7a: {  	p0 =	sne.s32 s18, $0x20;
	v4 =	vadd.f32 v4, v1  }
.Ltmp2:
0x7b: {  	[tilespmem:s20+$0x3520] =	vst v3;
	v62 =	vadd.f32 v2, v0;
	(pc) =	sbr.rel @p0 .LBB2_2-.Ltmp2, $4  }
0x7c: {  	s7 =	smul.u32 $0x320, s19;
	[tilespmem:s20+$0x3530] =	vst v4;
	v63 =	vadd.f32 v5, v1  }
0x7d: {  	[tilespmem:s20+$0x4E20] =	vst v62  }
0x7e: {  	s7 =	sadd.s32 s2, s7;
	[tilespmem:s20+$0x4E30] =	vst v63  }
0x7f: {  	[hbm4b:s7+s3] =	stream.linear.scatter [tilespmem:s24], [sflag:$0x4], $0x3200, $0x38;
	[tilespmem:$0x8020] =	vst v63  }
0x80: {  	s17 =	sadd.s32 $0x1, s17  }
0x81: {  	p0 =	sne.s32 s17, s11  }
.Ltmp3:
0x82: {  	_ = 	snop;
	(pc) =	sbr.rel @p0 .LBB2_1-.Ltmp3, $4  }
0x83: {  	_ = 	snop  }
0x84: {  	_ =	swait.ge [sflag:s12], $0x3200  }
0x85: {  	[sflag:s12] =	ssyncset.done $0x0  }
0x86: {  	[sflag:s12] =	ssyncadd.s32 $0xFFFFCE00  }
0x87: {  	_ =	sfence.sel $0x180000  }
0x88: {  	[bflag:$0x0] =	sbarrier.arrive $0xFFFF  }
0x89: {  	_ =	strace $0x90000047  }
0x8a: {  	s0 =	stileid.u32;
	[bflag:$0x2] =	sbarrier.arrive $0xFFFF  }
0x8b: {  	p0 =	sne.s32 s0, $0x0;
	s0 =	rddreg [dreg:$0x2]  }
0x8c: {  	s0 =	sadd.s32 @!p0 $0x100000, s0  }
0x8d: {  	[sflag:s0] =	ssyncadd.tile.s32 @!p0 $0x1;
	_ =	shalt  }
.Lfunc_end2:
_tile_overlayer_lowered:
.L_overlay_start_2:
0x8e: {  	(tag) =	ssettag $0x2  }
0x8f: {  	s0 =	rddreg [dreg:$0x0];
	s2 =	stileid.u32  }
0x90: {  	s1 =	rddreg [dreg:$0x1];
	p0 =	sne.s32 s2, $0x0  }
0x91: {  	s3 =	rddreg [dreg:$0x2];
	[bflag:$0x3] =	sbarrier.arrive $0xFFFF;
	s2 =	simm.s32 @!p0 $0x1C05  }
0x92: {  	[timem:s3], [sflag:s2] =	dma.local @!p0 [hbm:s0], s1  }
0x93: {  	s0 =	simm.s32 @!p0 $0x5  }
0x94: {  	_ =	swait.ge @!p0 [sflag:s0], s1  }
0x95: {  	s1 =	ssub.s32 @!p0 $0x0, s1;
	[sflag:s0] =	ssyncset.done @!p0 $0x0  }
0x96: {  	[sflag:s0] =	ssyncadd.s32 @!p0 s1  }
0x97: {  	[bflag:$0x3] =	sbarrier.arrive $0xFFFF  }
0x98: {  	_ =	shalt  }

// kernel: sparse-core-data-format-call.cloned.1.call-start
scs
called_computation_lowered:
.L_overlay_start_0:
0x0: {  	s2 =	sld [smem:$0x3FD9]  }
0x1: {  	s3 =	sld [smem:$0x3FFE];
	_ =	sdelay $0x1  }
0x2: {  	s1 =	srdreg.scid  }
0x3: {  	s0 =	sand.u32 $0x1, s1  }
0x4: {  	s18 =	sshll.u32 s0, $0xA;
	s2 =	sadd.s32 s3, s2  }
0x5: {  	s2 =	sadd.s32 s2, s18  }
0x6: {  	[smem:$0x3FC5] =	sst s2  }
0x7: {  	_ = 	snop  }
0x8: {  	s2 =	sld [smem:$0x3FD0];
	(tm) =	ssettm $0x1  }
0x9: {  	s19 =	sld [smem:$0x3FFB];
	_ =	sdelay $0x3  }
0xa: {  	_ =	strace s19  }
0xb: {  	s3 =	sld [smem:$0x3FFC];
	_ =	sdelay $0x3  }
0xc: {  	_ =	strace s3  }
0xd: {  	s3 =	sld [smem:$0x3FFD];
	_ =	sdelay $0x3  }
0xe: {  	_ =	strace s3  }
0xf: {  	_ =	strace $0x8FFFFFFF  }
0x10: {  	s20 =	sld [smem:$0x3FDB];
	_ =	sdelay $0x1  }
0x11: {  	s4 =	simm.s32 $_scs_section_size  }
0x12: {  	s5 =	simm.s32 $_size__tile_overlayer_lowered;
	s6 =	simm.s32 $_tile_overlayer_lowered  }
0x13: {  	s23 =	simm.s32 $0x1BFF;
	s22 =	sshll.u32 s6, $0x1;
	s3 =	sadd.s32 s4, s20  }
0x14: {  	s7 =	simm.s32 $0x0;
	s21 =	sshll.u32 s5, $0x1;
	s5 =	sadd.s32 s22, s3  }
0x15: {  	[timem:s7], [sflag:s23] =	dma.local [hbm:s5], s21  }
0x16: {  	_ =	swait.ge [sflag:s23], s21  }
0x17: {  	s4 =	ssub.s32 $0x0, s21;
	[sflag:s23] =	ssyncset.done $0x0  }
0x18: {  	[sflag:s23] =	ssyncadd.s32 s4;
	_ =	sdelay $0x1  }
0x19: {  	s24 =	simm.s32 $0x1B8B  }
0x1a: {  	_ =	swait.ge [sflag:s24], $0x1  }
0x1b: {  	[sflag:s24] =	ssyncset.done $0x0  }
0x1c: {  	s26 =	simm.s32 $0x1B8E;
	s25 =	sld [smem:$0x3FFE];
	[sflag:s24] =	ssyncadd.s32 $0xFFFFFFFF  }
0x1d: {  	s27 =	simm.s32 $execute0_lowered;
	[smem:$0x3FD2] =	sst s26  }
0x1e: {  	s5 =	sshll.u32 s27, $0x1;
	_ =	strace $0x80000049;
	[dreg:$0x1] =	wrdreg $0xFFFFFFFF  }
0x1f: {  	s28 =	simm.s32 $_size_execute0_lowered;
	s3 =	sadd.s32 s3, s5;
	[dreg:$0x0] =	wrdreg $0x0  }
0x20: {  	s5 =	sshll.u32 s28, $0x1;
	[dreg:$0x2] =	wrdreg s3  }
0x21: {  	[dreg:$0x3] =	wrdreg s5  }
0x22: {  	[dreg:$0x4] =	wrdreg $0xC0  }
0x23: {  	_ =	task [dreg:s7], $0x5FFFF  }
0x24: {  	[dreg:$0x1] =	wrdreg $0xFFFFFFFF  }
0x25: {  	[dreg:$0x0] =	wrdreg $0x60  }
0x26: {  	[dreg:$0x2] =	wrdreg s25  }
0x27: {  	[dreg:$0x3] =	wrdreg s2  }
0x28: {  	[dreg:$0x4] =	wrdreg $0x9  }
0x29: {  	_ =	task.clear_ibuf [dreg:s7], $0x5FFFF;
	_ =	strace $0x90000049  }
0x2a: {  	s29 =	simm.s32 $0x9;
	_ =	strace $0x8000004B  }
0x2b: {  	_ =	swait.ge [sflag:s29], $0x1  }
0x2c: {  	[sflag:s29] =	ssyncadd.s32 $0xFFFFFFFF  }
0x2d: {  	_ =	strace $0x9000004B  }
0x2e: {  	_ =	sfence  }
0x2f: {  	s30 =	sld [smem:$0x0];
	_ =	sdelay $0x2  }
0x30: {  	s31 =	sshll.u32 s1, $0xD;
	s1 =	sshrl.u32 s1, $0x2  }
0x31: {  	s3 =	sand.u32 $0x4000, s31;
	s1 =	sadd.s32 s1, s30  }
0x32: {  	s0 =	sor.u32 s3, s0;
	s1 =	sshll.u32 s1, $0x11  }
0x33: {  	s0 =	sor.u32 s1, s0  }
0x34: {  	s0 =	sadd.s32 $0x8F2B, s0  }
0x35: {  	[sflag:s0] =	ssyncadd.remote.s32 $0x1  }
0x36: {  	_ =	sfence.sel $0xFFFF  }
0x37: {  	[dreg:$0x0] =	wrdreg $0xFFFFFFFF;
	(pc) =	sbr.abs _section_cstart, $3  }
0x38: {  	[dreg:$0x1] =	wrdreg $0xFFFFFFFF  }
0x39: {  	_ =	task.clear_ibuf [dreg:s7], $0x2FFFF;
	_ =	strace $0x9FFFFFFF  }
0x3a: {  	(tm) =	ssettm $0x7FFFFFFF  }
0x3b: {  	_ =	shalt  }
tec
execute0_lowered:
.L_overlay_start_1:
0x0: {  	(tag) =	ssettag $0x1  }
0x1: {  	s0 =	srdreg.scid  }
0x2: {  	s1 =	sshll.u32 s0, $0x4  }
0x3: {  	s0 =	stileid.u32;
	s1 =	sand.u32 $0x10, s1  }
0x4: {  	s1 =	sor.u32 s0, s1  }
0x5: {  	s6 =	rddreg [dreg:$0x0];
	s4 =	simm.s32 $0x1;
	s2 =	sshll.u32 s1, $0x7  }
0x6: {  	s7 =	simm.s32 $0x2;
	s12 =	simm.s32 $0x0;
	s1 =	ssub.s32 $0x1000, s2  }
0x7: {  	s8 =	simm.s32 $0x8000;
	s13 =	simm.s32 $0x0;
	s3 =	sand.u32 $0xF80, s1  }
0x8: {  	s9 =	simm.s32 $0x0;
	s5 =	sshrl.u32 s1, $0xC;
	p0 =	sne.s32 s3, $0x0  }
.Ltmp0:
0x9: {  	s1 =	rddreg [dreg:$0x2];
	s4 =	simm.s32 @!p0 $0x0;
	(pc) =	sbr.rel .LBB1_1-.Ltmp0, $4  }
0xa: {  	s11 =	simm.s32 $0x0;
	s3 =	rddreg [dreg:$0x1];
	s5 =	sadd.s32 s4, s5  }
0xb: {  	_ =	strace $0x8000004A;
	s4 =	simm.s32 $0x1;
	s5 =	smul.u32 $0xC8, s5  }
0xc: {  	s6 =	sadd.s32 $0xE00, s6;
	s10 =	smov.u32 s2;
	[sflag:s4] =	ssyncpa.u1 $0x0  }
0xd: {  	p0 =	por $0x0, $0x0;
	[sflag:s7] =	ssyncpa.u1 $0x0;
	s7 =	sor.u32 $0x1, s5  }
.LBB1_4:
0xe: {  	s16 =	sshll.u32 s13, $0x3;
	s17 =	sand.u32 $0x78, s13  }
0xf: {  	s30 =	sand.u32 $0x3E00, s13;
	s12 =	sshll.u32 s12, $0xE;
	s16 =	sand.u32 $0xC00, s16  }
0x10: {  	s31 =	sand.u32 $0x7, s13;
	s16 =	sor.u32 s17, s16;
	s17 =	sadd.s32 s3, s30  }
0x11: {  	s13 =	sshll.u32 s31, $0x12;
	s16 =	sshrl.u32 s16, $0x3;
	s12 =	sadd.s32 s12, s17  }
0x12: {  	[tilespmem:s15+$0x0 ss:$0x81] =	vst.msk $0xffff, v0;
	s13 =	sor.u32 $0x400, s13;
	s12 =	sadd.s32 s16, s12  }
0x13: {  	[hbm4b:s12+s13] =	stream.strided.scatter [tilespmem:s14], [sflag:$0x2], $0x1000, s8, s13, $0x20;
	[tilespmem:$0x4040] =	vst v63  }
.LBB1_5:
0x14: {  	s14 =	sadd.s32 $0x1, s9  }
0x15: {  	s12 =	sadd.s32 $0x1000, s10;
	s16 =	smov.u32 s10;
	p2 =	sgt.s32 s14, $0xC7  }
0x16: {  	s16 =	smov.u32 @p2 s12  }
0x17: {  	s14 =	simm.s32 @p2 $0x0;
	p2 =	sgt.s32 s16, $0xFFF  }
0x18: {  	s16 =	smov.u32 @p2 s2;
	p2 =	sne.s32 s11, s7  }
.Ltmp1:
0x19: {  	p1 =	slt.u32 s11, $0x2;
	(pc) =	sbr.rel @!p2 .LBB1_6-.Ltmp1, $4  }
0x1a: {  	s15 =	simm.s32 @!p1 $0x2  }
0x1b: {  	s13 =	smov.u32 s10;
	p0 =	por !p0, !p0;
	_ =	swait.ge @!p1 [sflag:s15], $0x1000  }
0x1c: {  	s12 =	smov.u32 s9;
	[sflag:s15] =	ssyncset.done @!p1 $0x0;
	s9 =	smov.u32 s14  }
0x1d: {  	s11 =	sadd.s32 $0x1, s11;
	[sflag:s15] =	ssyncadd.s32 @!p1 $0xFFFFF000;
	s10 =	smov.u32 s16  }
.LBB1_1:
0x1e: {  	p1 =	sge.u32 s11, s5  }
0x1f: {  	s14 =	sand.u32 @!p1 $0x1FFFFFF, s9  }
0x20: {  	s15 =	smulhi.u32 @!p1 $0x147AE15, s14;
	_ =	sdelay $0x1  }
0x21: {  	s15 =	smul.u32 @!p1 $0xC8, s15  }
0x22: {  	s16 =	sxor.u32 @!p1 $0xFFFFFFFF, s11;
	s17 =	smul.u32 @!p1 $0xC80, s10  }
0x23: {  	s31 =	sadd.s32 $0xFFFFFFFF, s11;
	s16 =	sshll.u32 @!p1 s16, $0xC;
	s14 =	ssub.s32 @!p1 s14, s15  }
0x24: {  	s15 =	sand.u32 @!p1 $0x1000, s16;
	s16 =	sadd.s32 @!p1 s6, s17;
	s14 =	sshll.u32 @!p1 s14, $0x4  }
0x25: {  	s17 =	simm.s32 @!p1 $0x6400;
	s14 =	sadd.s32 @!p1 s14, s16;
	s16 =	simm.s32 @!p1 $0x20  }
0x26: {  	[tilespmem:s15], [sflag:$0x1] =	stream.strided.gather @!p1 [hbm4b:s14+s16], $0x1000, s17, s16, $0x38;
	[tilespmem:$0x4040] =	vst v63  }
0x27: {  	p1 =	sge.u32 s31, s5  }
.Ltmp2:
0x28: {  	_ = 	snop;
	(pc) =	sbr.rel @p1 .LBB1_5-.Ltmp2, $1  }
0x29: {  	_ =	sdelay $0x3  }
0x2a: {  	s14 =	simm.s32 $0x1  }
0x2b: {  	_ =	swait.ge [sflag:s4], $0x1000;
	s14 =	simm.s32 @!p0 $0x0  }
0x2c: {  	[sflag:s4] =	ssyncset.done $0x0;
	s15 =	sshll.u32 s14, $0xC  }
0x2d: {  	[sflag:s4] =	ssyncadd.s32 $0xFFFFF000;
	s18 =	sor.u32 $0x10, s15  }
0x2e: {  	s14 =	smul.u32 $0x4080, s14;
	v1 =	vld [tilespmem:s18+$0x0]  }
0x2f: {  	s30 =	sand.u32 $0x1, s11;
	v0 =	vld [tilespmem:s18+$0xFFFFFFF0]  }
0x30: {  	s15 =	smul.u32 $0x4080, s30;
	s14 =	sshrl.u32 s14, $0x2  }
0x31: {  	s16 =	sor.u32 $0x2000, s14  }
0x32: {  	s31 =	sshrl.u32 s15, $0x2;
	s15 =	sadd.s32 $0x0, s16  }
0x33: {  	s17 =	simm.s32 $0x4;
	s18 =	sadd.s32 $0x20, s18;
	s14 =	sor.u32 $0x2000, s31;
	[tilespmem:s15+$0x810 ss:$0x81] =	vst.msk $0xffff, v1  }
.LBB1_3:
0x34: {  	v1 =	vld [tilespmem:s18+$0x0];
	p1 =	sne.s32 s17, $0x1FC;
	[tilespmem:s15+$0x0 ss:$0x81] =	vst.msk $0xffff, v0;
	s15 =	smov.u32 s17;
	s17 =	sadd.s32 $0x4, s17  }
.Ltmp3:
0x35: {  	v0 =	vld [tilespmem:s18+$0xFFFFFFF0];
	(pc) =	sbr.rel @p1 .LBB1_3-.Ltmp3, $4  }
0x36: {  	_ = 	snop  }
0x37: {  	s15 =	sshra.s32 s15, $0x2  }
0x38: {  	s15 =	sadd.s32 s15, s16  }
0x39: {  	s18 =	sadd.s32 $0x20, s18;
	[tilespmem:s15+$0x810 ss:$0x81] =	vst.msk $0xffff, v1  }
.Ltmp4:
0x3a: {  	_ = 	snop;
	(pc) =	sbr.rel .LBB1_4-.Ltmp4, $1  }
0x3b: {  	_ =	sdelay $0x3  }
.LBB1_6:
0x3c: {  	_ =	sfence.sel $0x180000  }
0x3d: {  	s2 =	simm.s32 $0x1;
	[bflag:$0x0] =	sbarrier.arrive $0xFFFF  }
0x3e: {  	s31 =	simm.s32 $0x2;
	[sflag:s2] =	ssyncpa.u1 $0x1  }
0x3f: {  	[sflag:s31] =	ssyncpa.u1 $0x1  }
0x40: {  	p0 =	sne.s32 s0, $0x0;
	_ =	strace $0x9000004A  }
0x41: {  	s0 =	sadd.s32 @!p0 $0x100000, s1;
	[bflag:$0x2] =	sbarrier.arrive $0xFFFF  }
0x42: {  	[sflag:s0] =	ssyncadd.tile.s32 @!p0 $0x1;
	_ =	shalt  }
.Lfunc_end1:
_tile_overlayer_lowered:
.L_overlay_start_2:
0x43: {  	(tag) =	ssettag $0x2  }
0x44: {  	s0 =	rddreg [dreg:$0x0];
	s2 =	stileid.u32  }
0x45: {  	s1 =	rddreg [dreg:$0x1];
	p0 =	sne.s32 s2, $0x0  }
0x46: {  	s3 =	rddreg [dreg:$0x2];
	[bflag:$0x3] =	sbarrier.arrive $0xFFFF;
	s2 =	simm.s32 @!p0 $0x1C01  }
0x47: {  	[timem:s3], [sflag:s2] =	dma.local @!p0 [hbm:s0], s1  }
0x48: {  	s0 =	simm.s32 @!p0 $0x1  }
0x49: {  	_ =	swait.ge @!p0 [sflag:s0], s1  }
0x4a: {  	s1 =	ssub.s32 @!p0 $0x0, s1;
	[sflag:s0] =	ssyncset.done @!p0 $0x0  }
0x4b: {  	[sflag:s0] =	ssyncadd.s32 @!p0 s1  }
0x4c: {  	[bflag:$0x3] =	sbarrier.arrive $0xFFFF  }
0x4d: {  	_ =	shalt  }

</sc_bundles>
